<compile_context>
chip_gen: v7x
topology: tpu7x:2x2x1
jax: 0.10.2.dev20260603
libtpu: 0.0.44.dev20260713+nightly
codegen_flags: <defaults>
</compile_context>

<pallas_src>
import jax
import jax.numpy as jnp
from jax import lax
from jax.experimental import pallas as pl
from jax.experimental.pallas import tpu as pltpu
from jax.experimental.pallas import tpu_sc as plsc

B = 16384
D = 128
R = 500
BLK = 128
NPAD = B + BLK

NC = 2
NS = 16
LANES = 16
NWK = NC * NS
BPW = B // NWK
CH = 128
NCH = BPW // CH

def _sc_mesh():
    return plsc.VectorSubcoreMesh(
        core_axis_name="c", subcore_axis_name="s", num_cores=NC, num_subcores=NS
    )


def _sc_gather_body(table, hidx, tidx, hout, tout, idx_v, rows_v, sem):
    wid = lax.axis_index("s") * NC + lax.axis_index("c")
    base = wid * BPW
    for ids_hbm, out_hbm in ((hidx, hout), (tidx, tout)):
        pltpu.sync_copy(ids_hbm.at[wid], idx_v)
        cps = [
            pltpu.async_copy(
                table.at[idx_v.at[k]], rows_v.at[pl.ds(k * CH, CH)], sem
            )
            for k in range(NCH)
        ]
        for cp in cps:
            cp.wait()
        pltpu.sync_copy(rows_v, out_hbm.at[pl.ds(base, BPW)])


def _sc_unperm_body(scores, invp, out, sc_v, idx_v, out_v):
    wid = lax.axis_index("s") * NC + lax.axis_index("c")
    base = wid * BPW
    pltpu.sync_copy(scores, sc_v)
    pltpu.sync_copy(invp.at[pl.ds(base, BPW)], idx_v)
    for j in range(BPW // LANES):
        iv = idx_v[pl.ds(j * LANES, LANES)]
        out_v[pl.ds(j * LANES, LANES)] = plsc.load_gather(sc_v, [iv])
    pltpu.sync_copy(out_v, out.at[pl.ds(base, BPW)])


WORK_N = B // BLK + R


def _tc_body(rel_ref, win_ref, lo_ref, hi_ref, m_ref, h_ref, t_ref, out_ref):
    j = pl.program_id(0)
    w = win_ref[j]
    first = jnp.logical_or(j == 0, w != win_ref[jnp.maximum(j - 1, 0)])
    lo = lo_ref[j]
    hi = hi_ref[j]
    hs = h_ref[...]
    ts = t_ref[...]
    m = m_ref[0]
    proj = jax.lax.dot_general(
        hs, m, (((1,), (0,)), ((), ())),
        preferred_element_type=jnp.float32,
    )
    s = jnp.sum(proj * ts, axis=1)
    idx = w * BLK + jax.lax.broadcasted_iota(jnp.int32, (BLK,), 0)
    contrib = jnp.where((idx >= lo) & (idx < hi), s, 0.0)
    out_ref[...] = jnp.where(first, contrib, out_ref[...] + contrib)


def _grouped_scores(item_rel, item_win, item_lo, item_hi, m3, h_pad, t_pad):
    grid_spec = pltpu.PrefetchScalarGridSpec(
        num_scalar_prefetch=4,
        grid=(WORK_N,),
        in_specs=[
            pl.BlockSpec((1, D, D), lambda j, rel, win, lo, hi: (rel[j], 0, 0)),
            pl.BlockSpec((BLK, D), lambda j, rel, win, lo, hi: (win[j], 0)),
            pl.BlockSpec((BLK, D), lambda j, rel, win, lo, hi: (win[j], 0)),
        ],
        out_specs=pl.BlockSpec((BLK,), lambda j, rel, win, lo, hi: (win[j],)),
    )
    return pl.pallas_call(
        _tc_body,
        grid_spec=grid_spec,
        out_shape=jax.ShapeDtypeStruct((NPAD,), jnp.float32),
        compiler_params=pltpu.CompilerParams(
            dimension_semantics=("arbitrary",),
        ),
    )(item_rel, item_win, item_lo, item_hi, m3, h_pad, t_pad)


def _work_items(offs):
    off0 = offs[:-1]
    off1 = offs[1:]
    nonempty = off1 > off0
    w_start = off0 // BLK
    nwin = jnp.where(nonempty, (off1 - 1) // BLK - w_start + 1, 0)
    ends = jnp.cumsum(nwin)
    total = ends[-1]
    j = jnp.arange(WORK_N, dtype=jnp.int32)
    rid = jnp.searchsorted(ends, j, side="right").astype(jnp.int32)
    ridc = jnp.minimum(rid, R - 1)
    k = j - (ends[ridc] - nwin[ridc])
    valid = j < total
    item_rel = jnp.where(valid, ridc, 0)
    item_win = jnp.where(valid, w_start[ridc] + k, NPAD // BLK - 1)
    item_lo = jnp.where(valid, off0[ridc], 0)
    item_hi = jnp.where(valid, off1[ridc], 0)
    return item_rel, item_win, item_lo, item_hi


def kernel(head_ids, rel_ids, tail_ids, entity_table, relation_table):
    iota = jnp.arange(B, dtype=jnp.int32)
    skey = jnp.sort(rel_ids.astype(jnp.int32) * 32768 + iota)
    perm = skey & 32767
    srel = skey >> 15
    offs = jnp.searchsorted(srel, jnp.arange(R + 1, dtype=jnp.int32)).astype(jnp.int32)
    sorted_head = jnp.take(head_ids, perm).reshape(NWK, NCH, CH)
    sorted_tail = jnp.take(tail_ids, perm).reshape(NWK, NCH, CH)
    invperm = jnp.zeros((B,), jnp.int32).at[perm].set(iota)

    h_pad, t_pad = pl.kernel(
        _sc_gather_body,
        mesh=_sc_mesh(),
        out_type=[jax.ShapeDtypeStruct((NPAD, D), jnp.float32)] * 2,
        scratch_types=[
            pltpu.VMEM((NCH, CH), jnp.int32),
            pltpu.VMEM((BPW, D), jnp.float32),
            pltpu.SemaphoreType.DMA,
        ],
    )(entity_table, sorted_head, sorted_tail)

    m3 = relation_table.reshape(R, D, D)
    item_rel, item_win, item_lo, item_hi = _work_items(offs)
    scores_sorted = _grouped_scores(
        item_rel, item_win, item_lo, item_hi, m3, h_pad, t_pad
    )[:B]

    return jnp.take(scores_sorted, invperm)

# --- scband reference (transcript-rebuilt; emitter-appended) ---
"""Pipeline reference for scband-rescal-34514357190806 (READ-ONLY COPY).

The authoritative reference and input builder live on the scoring server;
editing this copy changes nothing except your own understanding.
"""

import jax, jax.numpy as jnp
import numpy as np

NUM_ENTITIES = 100000
NUM_RELATIONS = 500
EMB_DIM = 128
BATCH = 16384


def setup_inputs(seed: int = 0) -> dict:
    key = jax.random.key(seed)
    k1, k2, k3, k4, k5 = jax.random.split(key, 5)
    # xavier_uniform init, matching nn.init.xavier_uniform_
    ent_scale = float(np.sqrt(6.0 / (NUM_ENTITIES + EMB_DIM)))
    rel_scale = float(np.sqrt(6.0 / (NUM_RELATIONS + EMB_DIM * EMB_DIM)))
    entity_table = jax.random.uniform(k1, (NUM_ENTITIES, EMB_DIM), minval=-ent_scale, maxval=ent_scale, dtype=jnp.float32)
    relation_table = jax.random.uniform(k2, (NUM_RELATIONS, EMB_DIM * EMB_DIM), minval=-rel_scale, maxval=rel_scale, dtype=jnp.float32)
    head_ids = jax.random.randint(k3, (BATCH,), 0, NUM_ENTITIES)
    rel_ids = jax.random.randint(k4, (BATCH,), 0, NUM_RELATIONS)
    tail_ids = jax.random.randint(k5, (BATCH,), 0, NUM_ENTITIES)
    return {"head_ids": head_ids, "rel_ids": rel_ids, "tail_ids": tail_ids, "entity_table": entity_table, "relation_table": relation_table}


def reference(head_ids, rel_ids, tail_ids, entity_table, relation_table):
    # get_entity_emb: embedding gather
    h = jnp.take(entity_table, head_ids, axis=0)          # [B, D]
    t = jnp.take(entity_table, tail_ids, axis=0)          # [B, D]
    # get_relation_emb: gather flattened D*D relation matrices
    m = jnp.take(relation_table, rel_ids, axis=0).reshape(-1, EMB_DIM, EMB_DIM)  # [B, D, D]
    # estimate_tail_emb: head_emb.unsqueeze(1).bmm(rel_mat_emb).view(B, D)
    proj = jnp.einsum('bd,bde->be', h, m)                 # [B, D]
    # RESCAL bilinear score: h^T M_r t
    score = jnp.sum(proj * t, axis=-1)                    # [B]
    return score

if __name__ == "__main__":
    import jax
    _d = setup_inputs()
    print(jax.jit(kernel)(*tuple(_d.values())))

</pallas_src>

<mosaic_0001>
#map = affine_map<(d0, d1) -> (0, 0)>
#map1 = affine_map<(d0, d1) -> (0, 0, 0)>
module attributes {stable_mosaic.version = 14 : i64} {
  func.func @_sc_gather_body(%arg0: i32, %arg1: i32, %arg2: memref<100000x128xf32, #tpu.memory_space<hbm>>, %arg3: memref<32x4x128xi32, #tpu.memory_space<hbm>>, %arg4: memref<32x4x128xi32, #tpu.memory_space<hbm>>, %arg5: memref<16512x128xf32, #tpu.memory_space<hbm>>, %arg6: memref<16512x128xf32, #tpu.memory_space<hbm>>, %arg7: memref<4x128xi32, #tpu.memory_space<vmem>>, %arg8: memref<512x128xf32, #tpu.memory_space<vmem>>, %arg9: memref<!tpu.dma_semaphore, #tpu.memory_space<semaphore_mem>>) attributes {dimension_semantics = [#tpu.dimension_semantics<core_parallel>, #tpu.dimension_semantics<subcore_parallel>], iteration_bounds = array<i64: 2, 16>, scalar_prefetch = 0 : i64, scratch_operands = 3 : i64, tpu.core_type = #tpu.core_type<sc_vector_subcore>, window_params = [{transform_indices = #map}, {transform_indices = #map1}, {transform_indices = #map1}, {transform_indices = #map}, {transform_indices = #map}]} {
    %mul3A = arith.constant 2 : i32
    %mul3A_0 = arith.muli %arg1, %mul3A : i32
    %add3A = arith.addi %mul3A_0, %arg0 : i32
    %mul3A_1 = arith.constant 512 : i32
    %mul3A_2 = arith.muli %add3A, %mul3A_1 : i32
    "tpu.region"() ({
      %run_scoped3A = tpu.sem_alloc : memref<!tpu.dma_semaphore, #tpu.memory_space<semaphore_mem>>
      %dma_start3A_161 = arith.constant 0 : i32
      %dma_start3A_162 = arith.constant 0 : i32
      %dma_start3A_163 = tpu.memref_slice %arg3[%add3A, %dma_start3A_161, %dma_start3A_162] : memref<32x4x128xi32, #tpu.memory_space<hbm>> -> memref<1x4x128xi32, #tpu.memory_space<hbm>>
      %dma_start3A_164 = tpu.memref_squeeze %dma_start3A_163 : memref<1x4x128xi32, #tpu.memory_space<hbm>> -> memref<4x128xi32, #tpu.memory_space<hbm>>
      %dma_start3A_165 = arith.constant 0 : i32
      %dma_start3A_166 = arith.constant 0 : i32
      %dma_start3A_167 = tpu.memref_slice %arg3[%add3A, %dma_start3A_165, %dma_start3A_166] : memref<32x4x128xi32, #tpu.memory_space<hbm>> -> memref<1x4x128xi32, #tpu.memory_space<hbm>>
      %dma_start3A_168 = tpu.memref_squeeze %dma_start3A_167 : memref<1x4x128xi32, #tpu.memory_space<hbm>> -> memref<4x128xi32, #tpu.memory_space<hbm>>
      tpu.enqueue_dma source(%dma_start3A_168 : memref<4x128xi32, #tpu.memory_space<hbm>>) target(%arg7 : memref<4x128xi32, #tpu.memory_space<vmem>>) target_semaphore(%run_scoped3A : memref<!tpu.dma_semaphore, #tpu.memory_space<semaphore_mem>>)
      %dma_wait3A_169 = arith.constant 0 : i32
      %dma_wait3A_170 = arith.constant 0 : i32
      %dma_wait3A_171 = tpu.memref_slice %arg3[%add3A, %dma_wait3A_169, %dma_wait3A_170] : memref<32x4x128xi32, #tpu.memory_space<hbm>> -> memref<1x4x128xi32, #tpu.memory_space<hbm>>
      %dma_wait3A_172 = tpu.memref_squeeze %dma_wait3A_171 : memref<1x4x128xi32, #tpu.memory_space<hbm>> -> memref<4x128xi32, #tpu.memory_space<hbm>>
      %dma_wait3A_173 = arith.constant 0 : i32
      %dma_wait3A_174 = arith.constant 0 : i32
      %dma_wait3A_175 = tpu.memref_slice %arg3[%add3A, %dma_wait3A_173, %dma_wait3A_174] : memref<32x4x128xi32, #tpu.memory_space<hbm>> -> memref<1x4x128xi32, #tpu.memory_space<hbm>>
      %dma_wait3A_176 = tpu.memref_squeeze %dma_wait3A_175 : memref<1x4x128xi32, #tpu.memory_space<hbm>> -> memref<4x128xi32, #tpu.memory_space<hbm>>
      tpu.wait_dma2 semaphore(%run_scoped3A : memref<!tpu.dma_semaphore, #tpu.memory_space<semaphore_mem>>) src(%dma_wait3A_176 : memref<4x128xi32, #tpu.memory_space<hbm>>) dst(%arg7 : memref<4x128xi32, #tpu.memory_space<vmem>>)
      tpu.yield
    }) : () -> ()
    %dma_start3A = arith.constant 0 : i32
    %dma_start3A_3 = arith.constant 0 : i32
    %dma_start3A_4 = arith.constant 0 : i32
    %dma_start3A_5 = tpu.memref_slice %arg8[%dma_start3A_3, %dma_start3A_4] : memref<512x128xf32, #tpu.memory_space<vmem>> -> memref<128x128xf32, #tpu.memory_space<vmem>>
    %dma_start3A_6 = arith.constant 0 : i32
    %dma_start3A_7 = tpu.memref_slice %arg7[%dma_start3A, %dma_start3A_6] : memref<4x128xi32, #tpu.memory_space<vmem>> -> memref<1x128xi32, #tpu.memory_space<vmem>>
    %dma_start3A_8 = tpu.memref_squeeze %dma_start3A_7 : memref<1x128xi32, #tpu.memory_space<vmem>> -> memref<128xi32, #tpu.memory_space<vmem>>
    %dma_start3A_9 = arith.constant 0 : i32
    %dma_start3A_10 = arith.constant 0 : i32
    %dma_start3A_11 = tpu.memref_slice %arg2[%dma_start3A_9, %dma_start3A_10] : memref<100000x128xf32, #tpu.memory_space<hbm>> -> memref<100000x128xf32, #tpu.memory_space<hbm>>
    tpu.enqueue_indirect_dma source(%dma_start3A_11 : memref<100000x128xf32, #tpu.memory_space<hbm>>) target(%dma_start3A_5 : memref<128x128xf32, #tpu.memory_space<vmem>>) offsets(%dma_start3A_8 : memref<128xi32, #tpu.memory_space<vmem>>) semaphore(%arg9 : memref<!tpu.dma_semaphore, #tpu.memory_space<semaphore_mem>>)
    %dma_start3A_12 = arith.constant 1 : i32
    %dma_start3A_13 = arith.constant 128 : i32
    %dma_start3A_14 = arith.constant 0 : i32
    %dma_start3A_15 = tpu.memref_slice %arg8[%dma_start3A_13, %dma_start3A_14] : memref<512x128xf32, #tpu.memory_space<vmem>> -> memref<128x128xf32, #tpu.memory_space<vmem>>
    %dma_start3A_16 = arith.constant 0 : i32
    %dma_start3A_17 = tpu.memref_slice %arg7[%dma_start3A_12, %dma_start3A_16] : memref<4x128xi32, #tpu.memory_space<vmem>> -> memref<1x128xi32, #tpu.memory_space<vmem>>
    %dma_start3A_18 = tpu.memref_squeeze %dma_start3A_17 : memref<1x128xi32, #tpu.memory_space<vmem>> -> memref<128xi32, #tpu.memory_space<vmem>>
    %dma_start3A_19 = arith.constant 0 : i32
    %dma_start3A_20 = arith.constant 0 : i32
    %dma_start3A_21 = tpu.memref_slice %arg2[%dma_start3A_19, %dma_start3A_20] : memref<100000x128xf32, #tpu.memory_space<hbm>> -> memref<100000x128xf32, #tpu.memory_space<hbm>>
    tpu.enqueue_indirect_dma source(%dma_start3A_21 : memref<100000x128xf32, #tpu.memory_space<hbm>>) target(%dma_start3A_15 : memref<128x128xf32, #tpu.memory_space<vmem>>) offsets(%dma_start3A_18 : memref<128xi32, #tpu.memory_space<vmem>>) semaphore(%arg9 : memref<!tpu.dma_semaphore, #tpu.memory_space<semaphore_mem>>)
    %dma_start3A_22 = arith.constant 2 : i32
    %dma_start3A_23 = arith.constant 256 : i32
    %dma_start3A_24 = arith.constant 0 : i32
    %dma_start3A_25 = tpu.memref_slice %arg8[%dma_start3A_23, %dma_start3A_24] : memref<512x128xf32, #tpu.memory_space<vmem>> -> memref<128x128xf32, #tpu.memory_space<vmem>>
    %dma_start3A_26 = arith.constant 0 : i32
    %dma_start3A_27 = tpu.memref_slice %arg7[%dma_start3A_22, %dma_start3A_26] : memref<4x128xi32, #tpu.memory_space<vmem>> -> memref<1x128xi32, #tpu.memory_space<vmem>>
    %dma_start3A_28 = tpu.memref_squeeze %dma_start3A_27 : memref<1x128xi32, #tpu.memory_space<vmem>> -> memref<128xi32, #tpu.memory_space<vmem>>
    %dma_start3A_29 = arith.constant 0 : i32
    %dma_start3A_30 = arith.constant 0 : i32
    %dma_start3A_31 = tpu.memref_slice %arg2[%dma_start3A_29, %dma_start3A_30] : memref<100000x128xf32, #tpu.memory_space<hbm>> -> memref<100000x128xf32, #tpu.memory_space<hbm>>
    tpu.enqueue_indirect_dma source(%dma_start3A_31 : memref<100000x128xf32, #tpu.memory_space<hbm>>) target(%dma_start3A_25 : memref<128x128xf32, #tpu.memory_space<vmem>>) offsets(%dma_start3A_28 : memref<128xi32, #tpu.memory_space<vmem>>) semaphore(%arg9 : memref<!tpu.dma_semaphore, #tpu.memory_space<semaphore_mem>>)
    %dma_start3A_32 = arith.constant 3 : i32
    %dma_start3A_33 = arith.constant 384 : i32
    %dma_start3A_34 = arith.constant 0 : i32
    %dma_start3A_35 = tpu.memref_slice %arg8[%dma_start3A_33, %dma_start3A_34] : memref<512x128xf32, #tpu.memory_space<vmem>> -> memref<128x128xf32, #tpu.memory_space<vmem>>
    %dma_start3A_36 = arith.constant 0 : i32
    %dma_start3A_37 = tpu.memref_slice %arg7[%dma_start3A_32, %dma_start3A_36] : memref<4x128xi32, #tpu.memory_space<vmem>> -> memref<1x128xi32, #tpu.memory_space<vmem>>
    %dma_start3A_38 = tpu.memref_squeeze %dma_start3A_37 : memref<1x128xi32, #tpu.memory_space<vmem>> -> memref<128xi32, #tpu.memory_space<vmem>>
    %dma_start3A_39 = arith.constant 0 : i32
    %dma_start3A_40 = arith.constant 0 : i32
    %dma_start3A_41 = tpu.memref_slice %arg2[%dma_start3A_39, %dma_start3A_40] : memref<100000x128xf32, #tpu.memory_space<hbm>> -> memref<100000x128xf32, #tpu.memory_space<hbm>>
    tpu.enqueue_indirect_dma source(%dma_start3A_41 : memref<100000x128xf32, #tpu.memory_space<hbm>>) target(%dma_start3A_35 : memref<128x128xf32, #tpu.memory_space<vmem>>) offsets(%dma_start3A_38 : memref<128xi32, #tpu.memory_space<vmem>>) semaphore(%arg9 : memref<!tpu.dma_semaphore, #tpu.memory_space<semaphore_mem>>)
    %dma_wait3A = arith.constant 0 : i32
    %dma_wait3A_42 = arith.constant 0 : i32
    %dma_wait3A_43 = arith.constant 0 : i32
    %dma_wait3A_44 = tpu.memref_slice %arg8[%dma_wait3A_42, %dma_wait3A_43] : memref<512x128xf32, #tpu.memory_space<vmem>> -> memref<128x128xf32, #tpu.memory_space<vmem>>
    %dma_wait3A_45 = arith.constant 0 : i32
    %dma_wait3A_46 = tpu.memref_slice %arg7[%dma_wait3A, %dma_wait3A_45] : memref<4x128xi32, #tpu.memory_space<vmem>> -> memref<1x128xi32, #tpu.memory_space<vmem>>
    %dma_wait3A_47 = tpu.memref_squeeze %dma_wait3A_46 : memref<1x128xi32, #tpu.memory_space<vmem>> -> memref<128xi32, #tpu.memory_space<vmem>>
    %dma_wait3A_48 = arith.constant 0 : i32
    %dma_wait3A_49 = arith.constant 0 : i32
    %dma_wait3A_50 = tpu.memref_slice %arg2[%dma_wait3A_48, %dma_wait3A_49] : memref<100000x128xf32, #tpu.memory_space<hbm>> -> memref<100000x128xf32, #tpu.memory_space<hbm>>
    tpu.wait_indirect_dma semaphore(%arg9 : memref<!tpu.dma_semaphore, #tpu.memory_space<semaphore_mem>>) src(%dma_wait3A_50 : memref<100000x128xf32, #tpu.memory_space<hbm>>) dst(%dma_wait3A_44 : memref<128x128xf32, #tpu.memory_space<vmem>>)
    %dma_wait3A_51 = arith.constant 1 : i32
    %dma_wait3A_52 = arith.constant 128 : i32
    %dma_wait3A_53 = arith.constant 0 : i32
    %dma_wait3A_54 = tpu.memref_slice %arg8[%dma_wait3A_52, %dma_wait3A_53] : memref<512x128xf32, #tpu.memory_space<vmem>> -> memref<128x128xf32, #tpu.memory_space<vmem>>
    %dma_wait3A_55 = arith.constant 0 : i32
    %dma_wait3A_56 = tpu.memref_slice %arg7[%dma_wait3A_51, %dma_wait3A_55] : memref<4x128xi32, #tpu.memory_space<vmem>> -> memref<1x128xi32, #tpu.memory_space<vmem>>
    %dma_wait3A_57 = tpu.memref_squeeze %dma_wait3A_56 : memref<1x128xi32, #tpu.memory_space<vmem>> -> memref<128xi32, #tpu.memory_space<vmem>>
    %dma_wait3A_58 = arith.constant 0 : i32
    %dma_wait3A_59 = arith.constant 0 : i32
    %dma_wait3A_60 = tpu.memref_slice %arg2[%dma_wait3A_58, %dma_wait3A_59] : memref<100000x128xf32, #tpu.memory_space<hbm>> -> memref<100000x128xf32, #tpu.memory_space<hbm>>
    tpu.wait_indirect_dma semaphore(%arg9 : memref<!tpu.dma_semaphore, #tpu.memory_space<semaphore_mem>>) src(%dma_wait3A_60 : memref<100000x128xf32, #tpu.memory_space<hbm>>) dst(%dma_wait3A_54 : memref<128x128xf32, #tpu.memory_space<vmem>>)
    %dma_wait3A_61 = arith.constant 2 : i32
    %dma_wait3A_62 = arith.constant 256 : i32
    %dma_wait3A_63 = arith.constant 0 : i32
    %dma_wait3A_64 = tpu.memref_slice %arg8[%dma_wait3A_62, %dma_wait3A_63] : memref<512x128xf32, #tpu.memory_space<vmem>> -> memref<128x128xf32, #tpu.memory_space<vmem>>
    %dma_wait3A_65 = arith.constant 0 : i32
    %dma_wait3A_66 = tpu.memref_slice %arg7[%dma_wait3A_61, %dma_wait3A_65] : memref<4x128xi32, #tpu.memory_space<vmem>> -> memref<1x128xi32, #tpu.memory_space<vmem>>
    %dma_wait3A_67 = tpu.memref_squeeze %dma_wait3A_66 : memref<1x128xi32, #tpu.memory_space<vmem>> -> memref<128xi32, #tpu.memory_space<vmem>>
    %dma_wait3A_68 = arith.constant 0 : i32
    %dma_wait3A_69 = arith.constant 0 : i32
    %dma_wait3A_70 = tpu.memref_slice %arg2[%dma_wait3A_68, %dma_wait3A_69] : memref<100000x128xf32, #tpu.memory_space<hbm>> -> memref<100000x128xf32, #tpu.memory_space<hbm>>
    tpu.wait_indirect_dma semaphore(%arg9 : memref<!tpu.dma_semaphore, #tpu.memory_space<semaphore_mem>>) src(%dma_wait3A_70 : memref<100000x128xf32, #tpu.memory_space<hbm>>) dst(%dma_wait3A_64 : memref<128x128xf32, #tpu.memory_space<vmem>>)
    %dma_wait3A_71 = arith.constant 3 : i32
    %dma_wait3A_72 = arith.constant 384 : i32
    %dma_wait3A_73 = arith.constant 0 : i32
    %dma_wait3A_74 = tpu.memref_slice %arg8[%dma_wait3A_72, %dma_wait3A_73] : memref<512x128xf32, #tpu.memory_space<vmem>> -> memref<128x128xf32, #tpu.memory_space<vmem>>
    %dma_wait3A_75 = arith.constant 0 : i32
    %dma_wait3A_76 = tpu.memref_slice %arg7[%dma_wait3A_71, %dma_wait3A_75] : memref<4x128xi32, #tpu.memory_space<vmem>> -> memref<1x128xi32, #tpu.memory_space<vmem>>
    %dma_wait3A_77 = tpu.memref_squeeze %dma_wait3A_76 : memref<1x128xi32, #tpu.memory_space<vmem>> -> memref<128xi32, #tpu.memory_space<vmem>>
    %dma_wait3A_78 = arith.constant 0 : i32
    %dma_wait3A_79 = arith.constant 0 : i32
    %dma_wait3A_80 = tpu.memref_slice %arg2[%dma_wait3A_78, %dma_wait3A_79] : memref<100000x128xf32, #tpu.memory_space<hbm>> -> memref<100000x128xf32, #tpu.memory_space<hbm>>
    tpu.wait_indirect_dma semaphore(%arg9 : memref<!tpu.dma_semaphore, #tpu.memory_space<semaphore_mem>>) src(%dma_wait3A_80 : memref<100000x128xf32, #tpu.memory_space<hbm>>) dst(%dma_wait3A_74 : memref<128x128xf32, #tpu.memory_space<vmem>>)
    "tpu.region"() ({
      %run_scoped3A = tpu.sem_alloc : memref<!tpu.dma_semaphore, #tpu.memory_space<semaphore_mem>>
      %dma_start3A_161 = arith.constant 0 : i32
      %dma_start3A_162 = tpu.memref_slice %arg5[%mul3A_2, %dma_start3A_161] : memref<16512x128xf32, #tpu.memory_space<hbm>> -> memref<512x128xf32, #tpu.memory_space<hbm>>
      %dma_start3A_163 = arith.constant 0 : i32
      %dma_start3A_164 = tpu.memref_slice %arg5[%mul3A_2, %dma_start3A_163] : memref<16512x128xf32, #tpu.memory_space<hbm>> -> memref<512x128xf32, #tpu.memory_space<hbm>>
      tpu.enqueue_dma source(%arg8 : memref<512x128xf32, #tpu.memory_space<vmem>>) target(%dma_start3A_164 : memref<512x128xf32, #tpu.memory_space<hbm>>) target_semaphore(%run_scoped3A : memref<!tpu.dma_semaphore, #tpu.memory_space<semaphore_mem>>)
      %dma_wait3A_165 = arith.constant 0 : i32
      %dma_wait3A_166 = tpu.memref_slice %arg5[%mul3A_2, %dma_wait3A_165] : memref<16512x128xf32, #tpu.memory_space<hbm>> -> memref<512x128xf32, #tpu.memory_space<hbm>>
      %dma_wait3A_167 = arith.constant 0 : i32
      %dma_wait3A_168 = tpu.memref_slice %arg5[%mul3A_2, %dma_wait3A_167] : memref<16512x128xf32, #tpu.memory_space<hbm>> -> memref<512x128xf32, #tpu.memory_space<hbm>>
      tpu.wait_dma2 semaphore(%run_scoped3A : memref<!tpu.dma_semaphore, #tpu.memory_space<semaphore_mem>>) src(%arg8 : memref<512x128xf32, #tpu.memory_space<vmem>>) dst(%dma_wait3A_168 : memref<512x128xf32, #tpu.memory_space<hbm>>)
      tpu.yield
    }) : () -> ()
    "tpu.region"() ({
      %run_scoped3A = tpu.sem_alloc : memref<!tpu.dma_semaphore, #tpu.memory_space<semaphore_mem>>
      %dma_start3A_161 = arith.constant 0 : i32
      %dma_start3A_162 = arith.constant 0 : i32
      %dma_start3A_163 = tpu.memref_slice %arg4[%add3A, %dma_start3A_161, %dma_start3A_162] : memref<32x4x128xi32, #tpu.memory_space<hbm>> -> memref<1x4x128xi32, #tpu.memory_space<hbm>>
      %dma_start3A_164 = tpu.memref_squeeze %dma_start3A_163 : memref<1x4x128xi32, #tpu.memory_space<hbm>> -> memref<4x128xi32, #tpu.memory_space<hbm>>
      %dma_start3A_165 = arith.constant 0 : i32
      %dma_start3A_166 = arith.constant 0 : i32
      %dma_start3A_167 = tpu.memref_slice %arg4[%add3A, %dma_start3A_165, %dma_start3A_166] : memref<32x4x128xi32, #tpu.memory_space<hbm>> -> memref<1x4x128xi32, #tpu.memory_space<hbm>>
      %dma_start3A_168 = tpu.memref_squeeze %dma_start3A_167 : memref<1x4x128xi32, #tpu.memory_space<hbm>> -> memref<4x128xi32, #tpu.memory_space<hbm>>
      tpu.enqueue_dma source(%dma_start3A_168 : memref<4x128xi32, #tpu.memory_space<hbm>>) target(%arg7 : memref<4x128xi32, #tpu.memory_space<vmem>>) target_semaphore(%run_scoped3A : memref<!tpu.dma_semaphore, #tpu.memory_space<semaphore_mem>>)
      %dma_wait3A_169 = arith.constant 0 : i32
      %dma_wait3A_170 = arith.constant 0 : i32
      %dma_wait3A_171 = tpu.memref_slice %arg4[%add3A, %dma_wait3A_169, %dma_wait3A_170] : memref<32x4x128xi32, #tpu.memory_space<hbm>> -> memref<1x4x128xi32, #tpu.memory_space<hbm>>
      %dma_wait3A_172 = tpu.memref_squeeze %dma_wait3A_171 : memref<1x4x128xi32, #tpu.memory_space<hbm>> -> memref<4x128xi32, #tpu.memory_space<hbm>>
      %dma_wait3A_173 = arith.constant 0 : i32
      %dma_wait3A_174 = arith.constant 0 : i32
      %dma_wait3A_175 = tpu.memref_slice %arg4[%add3A, %dma_wait3A_173, %dma_wait3A_174] : memref<32x4x128xi32, #tpu.memory_space<hbm>> -> memref<1x4x128xi32, #tpu.memory_space<hbm>>
      %dma_wait3A_176 = tpu.memref_squeeze %dma_wait3A_175 : memref<1x4x128xi32, #tpu.memory_space<hbm>> -> memref<4x128xi32, #tpu.memory_space<hbm>>
      tpu.wait_dma2 semaphore(%run_scoped3A : memref<!tpu.dma_semaphore, #tpu.memory_space<semaphore_mem>>) src(%dma_wait3A_176 : memref<4x128xi32, #tpu.memory_space<hbm>>) dst(%arg7 : memref<4x128xi32, #tpu.memory_space<vmem>>)
      tpu.yield
    }) : () -> ()
    %dma_start3A_81 = arith.constant 0 : i32
    %dma_start3A_82 = arith.constant 0 : i32
    %dma_start3A_83 = arith.constant 0 : i32
    %dma_start3A_84 = tpu.memref_slice %arg8[%dma_start3A_82, %dma_start3A_83] : memref<512x128xf32, #tpu.memory_space<vmem>> -> memref<128x128xf32, #tpu.memory_space<vmem>>
    %dma_start3A_85 = arith.constant 0 : i32
    %dma_start3A_86 = tpu.memref_slice %arg7[%dma_start3A_81, %dma_start3A_85] : memref<4x128xi32, #tpu.memory_space<vmem>> -> memref<1x128xi32, #tpu.memory_space<vmem>>
    %dma_start3A_87 = tpu.memref_squeeze %dma_start3A_86 : memref<1x128xi32, #tpu.memory_space<vmem>> -> memref<128xi32, #tpu.memory_space<vmem>>
    %dma_start3A_88 = arith.constant 0 : i32
    %dma_start3A_89 = arith.constant 0 : i32
    %dma_start3A_90 = tpu.memref_slice %arg2[%dma_start3A_88, %dma_start3A_89] : memref<100000x128xf32, #tpu.memory_space<hbm>> -> memref<100000x128xf32, #tpu.memory_space<hbm>>
    tpu.enqueue_indirect_dma source(%dma_start3A_90 : memref<100000x128xf32, #tpu.memory_space<hbm>>) target(%dma_start3A_84 : memref<128x128xf32, #tpu.memory_space<vmem>>) offsets(%dma_start3A_87 : memref<128xi32, #tpu.memory_space<vmem>>) semaphore(%arg9 : memref<!tpu.dma_semaphore, #tpu.memory_space<semaphore_mem>>)
    %dma_start3A_91 = arith.constant 1 : i32
    %dma_start3A_92 = arith.constant 128 : i32
    %dma_start3A_93 = arith.constant 0 : i32
    %dma_start3A_94 = tpu.memref_slice %arg8[%dma_start3A_92, %dma_start3A_93] : memref<512x128xf32, #tpu.memory_space<vmem>> -> memref<128x128xf32, #tpu.memory_space<vmem>>
    %dma_start3A_95 = arith.constant 0 : i32
    %dma_start3A_96 = tpu.memref_slice %arg7[%dma_start3A_91, %dma_start3A_95] : memref<4x128xi32, #tpu.memory_space<vmem>> -> memref<1x128xi32, #tpu.memory_space<vmem>>
    %dma_start3A_97 = tpu.memref_squeeze %dma_start3A_96 : memref<1x128xi32, #tpu.memory_space<vmem>> -> memref<128xi32, #tpu.memory_space<vmem>>
    %dma_start3A_98 = arith.constant 0 : i32
    %dma_start3A_99 = arith.constant 0 : i32
    %dma_start3A_100 = tpu.memref_slice %arg2[%dma_start3A_98, %dma_start3A_99] : memref<100000x128xf32, #tpu.memory_space<hbm>> -> memref<100000x128xf32, #tpu.memory_space<hbm>>
    tpu.enqueue_indirect_dma source(%dma_start3A_100 : memref<100000x128xf32, #tpu.memory_space<hbm>>) target(%dma_start3A_94 : memref<128x128xf32, #tpu.memory_space<vmem>>) offsets(%dma_start3A_97 : memref<128xi32, #tpu.memory_space<vmem>>) semaphore(%arg9 : memref<!tpu.dma_semaphore, #tpu.memory_space<semaphore_mem>>)
    %dma_start3A_101 = arith.constant 2 : i32
    %dma_start3A_102 = arith.constant 256 : i32
    %dma_start3A_103 = arith.constant 0 : i32
    %dma_start3A_104 = tpu.memref_slice %arg8[%dma_start3A_102, %dma_start3A_103] : memref<512x128xf32, #tpu.memory_space<vmem>> -> memref<128x128xf32, #tpu.memory_space<vmem>>
    %dma_start3A_105 = arith.constant 0 : i32
    %dma_start3A_106 = tpu.memref_slice %arg7[%dma_start3A_101, %dma_start3A_105] : memref<4x128xi32, #tpu.memory_space<vmem>> -> memref<1x128xi32, #tpu.memory_space<vmem>>
    %dma_start3A_107 = tpu.memref_squeeze %dma_start3A_106 : memref<1x128xi32, #tpu.memory_space<vmem>> -> memref<128xi32, #tpu.memory_space<vmem>>
    %dma_start3A_108 = arith.constant 0 : i32
    %dma_start3A_109 = arith.constant 0 : i32
    %dma_start3A_110 = tpu.memref_slice %arg2[%dma_start3A_108, %dma_start3A_109] : memref<100000x128xf32, #tpu.memory_space<hbm>> -> memref<100000x128xf32, #tpu.memory_space<hbm>>
    tpu.enqueue_indirect_dma source(%dma_start3A_110 : memref<100000x128xf32, #tpu.memory_space<hbm>>) target(%dma_start3A_104 : memref<128x128xf32, #tpu.memory_space<vmem>>) offsets(%dma_start3A_107 : memref<128xi32, #tpu.memory_space<vmem>>) semaphore(%arg9 : memref<!tpu.dma_semaphore, #tpu.memory_space<semaphore_mem>>)
    %dma_start3A_111 = arith.constant 3 : i32
    %dma_start3A_112 = arith.constant 384 : i32
    %dma_start3A_113 = arith.constant 0 : i32
    %dma_start3A_114 = tpu.memref_slice %arg8[%dma_start3A_112, %dma_start3A_113] : memref<512x128xf32, #tpu.memory_space<vmem>> -> memref<128x128xf32, #tpu.memory_space<vmem>>
    %dma_start3A_115 = arith.constant 0 : i32
    %dma_start3A_116 = tpu.memref_slice %arg7[%dma_start3A_111, %dma_start3A_115] : memref<4x128xi32, #tpu.memory_space<vmem>> -> memref<1x128xi32, #tpu.memory_space<vmem>>
    %dma_start3A_117 = tpu.memref_squeeze %dma_start3A_116 : memref<1x128xi32, #tpu.memory_space<vmem>> -> memref<128xi32, #tpu.memory_space<vmem>>
    %dma_start3A_118 = arith.constant 0 : i32
    %dma_start3A_119 = arith.constant 0 : i32
    %dma_start3A_120 = tpu.memref_slice %arg2[%dma_start3A_118, %dma_start3A_119] : memref<100000x128xf32, #tpu.memory_space<hbm>> -> memref<100000x128xf32, #tpu.memory_space<hbm>>
    tpu.enqueue_indirect_dma source(%dma_start3A_120 : memref<100000x128xf32, #tpu.memory_space<hbm>>) target(%dma_start3A_114 : memref<128x128xf32, #tpu.memory_space<vmem>>) offsets(%dma_start3A_117 : memref<128xi32, #tpu.memory_space<vmem>>) semaphore(%arg9 : memref<!tpu.dma_semaphore, #tpu.memory_space<semaphore_mem>>)
    %dma_wait3A_121 = arith.constant 0 : i32
    %dma_wait3A_122 = arith.constant 0 : i32
    %dma_wait3A_123 = arith.constant 0 : i32
    %dma_wait3A_124 = tpu.memref_slice %arg8[%dma_wait3A_122, %dma_wait3A_123] : memref<512x128xf32, #tpu.memory_space<vmem>> -> memref<128x128xf32, #tpu.memory_space<vmem>>
    %dma_wait3A_125 = arith.constant 0 : i32
    %dma_wait3A_126 = tpu.memref_slice %arg7[%dma_wait3A_121, %dma_wait3A_125] : memref<4x128xi32, #tpu.memory_space<vmem>> -> memref<1x128xi32, #tpu.memory_space<vmem>>
    %dma_wait3A_127 = tpu.memref_squeeze %dma_wait3A_126 : memref<1x128xi32, #tpu.memory_space<vmem>> -> memref<128xi32, #tpu.memory_space<vmem>>
    %dma_wait3A_128 = arith.constant 0 : i32
    %dma_wait3A_129 = arith.constant 0 : i32
    %dma_wait3A_130 = tpu.memref_slice %arg2[%dma_wait3A_128, %dma_wait3A_129] : memref<100000x128xf32, #tpu.memory_space<hbm>> -> memref<100000x128xf32, #tpu.memory_space<hbm>>
    tpu.wait_indirect_dma semaphore(%arg9 : memref<!tpu.dma_semaphore, #tpu.memory_space<semaphore_mem>>) src(%dma_wait3A_130 : memref<100000x128xf32, #tpu.memory_space<hbm>>) dst(%dma_wait3A_124 : memref<128x128xf32, #tpu.memory_space<vmem>>)
    %dma_wait3A_131 = arith.constant 1 : i32
    %dma_wait3A_132 = arith.constant 128 : i32
    %dma_wait3A_133 = arith.constant 0 : i32
    %dma_wait3A_134 = tpu.memref_slice %arg8[%dma_wait3A_132, %dma_wait3A_133] : memref<512x128xf32, #tpu.memory_space<vmem>> -> memref<128x128xf32, #tpu.memory_space<vmem>>
    %dma_wait3A_135 = arith.constant 0 : i32
    %dma_wait3A_136 = tpu.memref_slice %arg7[%dma_wait3A_131, %dma_wait3A_135] : memref<4x128xi32, #tpu.memory_space<vmem>> -> memref<1x128xi32, #tpu.memory_space<vmem>>
    %dma_wait3A_137 = tpu.memref_squeeze %dma_wait3A_136 : memref<1x128xi32, #tpu.memory_space<vmem>> -> memref<128xi32, #tpu.memory_space<vmem>>
    %dma_wait3A_138 = arith.constant 0 : i32
    %dma_wait3A_139 = arith.constant 0 : i32
    %dma_wait3A_140 = tpu.memref_slice %arg2[%dma_wait3A_138, %dma_wait3A_139] : memref<100000x128xf32, #tpu.memory_space<hbm>> -> memref<100000x128xf32, #tpu.memory_space<hbm>>
    tpu.wait_indirect_dma semaphore(%arg9 : memref<!tpu.dma_semaphore, #tpu.memory_space<semaphore_mem>>) src(%dma_wait3A_140 : memref<100000x128xf32, #tpu.memory_space<hbm>>) dst(%dma_wait3A_134 : memref<128x128xf32, #tpu.memory_space<vmem>>)
    %dma_wait3A_141 = arith.constant 2 : i32
    %dma_wait3A_142 = arith.constant 256 : i32
    %dma_wait3A_143 = arith.constant 0 : i32
    %dma_wait3A_144 = tpu.memref_slice %arg8[%dma_wait3A_142, %dma_wait3A_143] : memref<512x128xf32, #tpu.memory_space<vmem>> -> memref<128x128xf32, #tpu.memory_space<vmem>>
    %dma_wait3A_145 = arith.constant 0 : i32
    %dma_wait3A_146 = tpu.memref_slice %arg7[%dma_wait3A_141, %dma_wait3A_145] : memref<4x128xi32, #tpu.memory_space<vmem>> -> memref<1x128xi32, #tpu.memory_space<vmem>>
    %dma_wait3A_147 = tpu.memref_squeeze %dma_wait3A_146 : memref<1x128xi32, #tpu.memory_space<vmem>> -> memref<128xi32, #tpu.memory_space<vmem>>
    %dma_wait3A_148 = arith.constant 0 : i32
    %dma_wait3A_149 = arith.constant 0 : i32
    %dma_wait3A_150 = tpu.memref_slice %arg2[%dma_wait3A_148, %dma_wait3A_149] : memref<100000x128xf32, #tpu.memory_space<hbm>> -> memref<100000x128xf32, #tpu.memory_space<hbm>>
    tpu.wait_indirect_dma semaphore(%arg9 : memref<!tpu.dma_semaphore, #tpu.memory_space<semaphore_mem>>) src(%dma_wait3A_150 : memref<100000x128xf32, #tpu.memory_space<hbm>>) dst(%dma_wait3A_144 : memref<128x128xf32, #tpu.memory_space<vmem>>)
    %dma_wait3A_151 = arith.constant 3 : i32
    %dma_wait3A_152 = arith.constant 384 : i32
    %dma_wait3A_153 = arith.constant 0 : i32
    %dma_wait3A_154 = tpu.memref_slice %arg8[%dma_wait3A_152, %dma_wait3A_153] : memref<512x128xf32, #tpu.memory_space<vmem>> -> memref<128x128xf32, #tpu.memory_space<vmem>>
    %dma_wait3A_155 = arith.constant 0 : i32
    %dma_wait3A_156 = tpu.memref_slice %arg7[%dma_wait3A_151, %dma_wait3A_155] : memref<4x128xi32, #tpu.memory_space<vmem>> -> memref<1x128xi32, #tpu.memory_space<vmem>>
    %dma_wait3A_157 = tpu.memref_squeeze %dma_wait3A_156 : memref<1x128xi32, #tpu.memory_space<vmem>> -> memref<128xi32, #tpu.memory_space<vmem>>
    %dma_wait3A_158 = arith.constant 0 : i32
    %dma_wait3A_159 = arith.constant 0 : i32
    %dma_wait3A_160 = tpu.memref_slice %arg2[%dma_wait3A_158, %dma_wait3A_159] : memref<100000x128xf32, #tpu.memory_space<hbm>> -> memref<100000x128xf32, #tpu.memory_space<hbm>>
    tpu.wait_indirect_dma semaphore(%arg9 : memref<!tpu.dma_semaphore, #tpu.memory_space<semaphore_mem>>) src(%dma_wait3A_160 : memref<100000x128xf32, #tpu.memory_space<hbm>>) dst(%dma_wait3A_154 : memref<128x128xf32, #tpu.memory_space<vmem>>)
    "tpu.region"() ({
      %run_scoped3A = tpu.sem_alloc : memref<!tpu.dma_semaphore, #tpu.memory_space<semaphore_mem>>
      %dma_start3A_161 = arith.constant 0 : i32
      %dma_start3A_162 = tpu.memref_slice %arg6[%mul3A_2, %dma_start3A_161] : memref<16512x128xf32, #tpu.memory_space<hbm>> -> memref<512x128xf32, #tpu.memory_space<hbm>>
      %dma_start3A_163 = arith.constant 0 : i32
      %dma_start3A_164 = tpu.memref_slice %arg6[%mul3A_2, %dma_start3A_163] : memref<16512x128xf32, #tpu.memory_space<hbm>> -> memref<512x128xf32, #tpu.memory_space<hbm>>
      tpu.enqueue_dma source(%arg8 : memref<512x128xf32, #tpu.memory_space<vmem>>) target(%dma_start3A_164 : memref<512x128xf32, #tpu.memory_space<hbm>>) target_semaphore(%run_scoped3A : memref<!tpu.dma_semaphore, #tpu.memory_space<semaphore_mem>>)
      %dma_wait3A_165 = arith.constant 0 : i32
      %dma_wait3A_166 = tpu.memref_slice %arg6[%mul3A_2, %dma_wait3A_165] : memref<16512x128xf32, #tpu.memory_space<hbm>> -> memref<512x128xf32, #tpu.memory_space<hbm>>
      %dma_wait3A_167 = arith.constant 0 : i32
      %dma_wait3A_168 = tpu.memref_slice %arg6[%mul3A_2, %dma_wait3A_167] : memref<16512x128xf32, #tpu.memory_space<hbm>> -> memref<512x128xf32, #tpu.memory_space<hbm>>
      tpu.wait_dma2 semaphore(%run_scoped3A : memref<!tpu.dma_semaphore, #tpu.memory_space<semaphore_mem>>) src(%arg8 : memref<512x128xf32, #tpu.memory_space<vmem>>) dst(%dma_wait3A_168 : memref<512x128xf32, #tpu.memory_space<hbm>>)
      tpu.yield
    }) : () -> ()
    return
  }
}

module attributes {stable_mosaic.version = 14 : i64} {
  func.func @_tc_body(%arg0: i32, %arg1: memref<628xi32, #tpu.memory_space<smem>>, %arg2: memref<628xi32, #tpu.memory_space<smem>>, %arg3: memref<628xi32, #tpu.memory_space<smem>>, %arg4: memref<628xi32, #tpu.memory_space<smem>>, %arg5: memref<1x128x128xf32, #tpu.memory_space<vmem>>, %arg6: memref<128x128xf32, #tpu.memory_space<vmem>>, %arg7: memref<128x128xf32, #tpu.memory_space<vmem>>, %arg8: memref<128xf32, #tpu.memory_space<vmem>>) attributes {dimension_semantics = [#tpu.dimension_semantics<arbitrary>], iteration_bounds = array<i64: 628>, scalar_prefetch = 4 : i64, scratch_operands = 0 : i64, tpu.core_type = #tpu.core_type<tc>, window_params = [{transform_indices = @transform_0, window_bounds = array<i64: 1, 128, 128>}, {transform_indices = @transform_1, window_bounds = array<i64: 128, 128>}, {transform_indices = @transform_2, window_bounds = array<i64: 128, 128>}, {transform_indices = @transform_3, window_bounds = array<i64: 128>}]} {
    %get3A = arith.index_cast %arg0 : i32 to index
    %get3A_0 = memref.load %arg2[%get3A] : memref<628xi32, #tpu.memory_space<smem>>
    %eq3A = arith.constant 0 : i32
    %eq3A_1 = arith.cmpi eq, %arg0, %eq3A : i32
    %sub3A = arith.constant 1 : i32
    %sub3A_2 = arith.subi %arg0, %sub3A : i32
    %max3A = arith.constant 0 : i32
    %max3A_3 = arith.maxsi %sub3A_2, %max3A : i32
    %get3A_4 = arith.index_cast %max3A_3 : i32 to index
    %get3A_5 = memref.load %arg2[%get3A_4] : memref<628xi32, #tpu.memory_space<smem>>
    %ne3A = arith.cmpi ne, %get3A_0, %get3A_5 : i32
    %or3A = arith.ori %eq3A_1, %ne3A : i1
    %get3A_6 = arith.index_cast %arg0 : i32 to index
    %get3A_7 = memref.load %arg3[%get3A_6] : memref<628xi32, #tpu.memory_space<smem>>
    %get3A_8 = arith.index_cast %arg0 : i32 to index
    %get3A_9 = memref.load %arg4[%get3A_8] : memref<628xi32, #tpu.memory_space<smem>>
    %get3A_10 = arith.constant 0 : index
    %get3A_11 = arith.constant 0 : index
    %get3A_12 = vector.load %arg6[%get3A_10, %get3A_11] : memref<128x128xf32, #tpu.memory_space<vmem>>, vector<128x128xf32>
    %get3A_13 = arith.constant 0 : index
    %get3A_14 = arith.constant 0 : index
    %get3A_15 = vector.load %arg7[%get3A_13, %get3A_14] : memref<128x128xf32, #tpu.memory_space<vmem>>, vector<128x128xf32>
    %get3A_16 = arith.constant 0 : index
    %get3A_17 = arith.constant 0 : index
    %get3A_18 = arith.constant 0 : index
    %get3A_19 = vector.load %arg5[%get3A_16, %get3A_17, %get3A_18] : memref<1x128x128xf32, #tpu.memory_space<vmem>>, vector<1x128x128xf32>
    %get3A_20 = vector.shape_cast %get3A_19 : vector<1x128x128xf32> to vector<128x128xf32>
    %dot_general3A = arith.constant dense<0.000000e+00> : vector<128x128xf32>
    %dot_general3A_21 = tpu.matmul %get3A_12, %get3A_20, %dot_general3A {dimension_numbers = #tpu.dot_dimension_numbers<[1], [0], [0], [1], [0, 0, 1, 1], [], []>, transpose_lhs_hint = false} : vector<128x128xf32>, vector<128x128xf32>, vector<128x128xf32> -> vector<128x128xf32>
    %mul3A = arith.mulf %dot_general3A_21, %get3A_15 : vector<128x128xf32>
    %reduce_sum3A = arith.constant dense<0.000000e+00> : vector<128xf32>
    %reduce_sum3A_22 = vector.multi_reduction <add>, %mul3A, %reduce_sum3A [1] : vector<128x128xf32> to vector<128xf32>
    %mul3A_23 = arith.constant 128 : i32
    %mul3A_24 = arith.muli %get3A_0, %mul3A_23 : i32
    %iota3A = tpu.iota {dimensions = array<i32: 1>} : vector<1x128xi32>
    %iota3A_25 = vector.shape_cast %iota3A : vector<1x128xi32> to vector<128xi32>
    %add3A = vector.broadcast %mul3A_24 : i32 to vector<128xi32>
    %add3A_26 = arith.addi %add3A, %iota3A_25 : vector<128xi32>
    %ge3A = vector.broadcast %get3A_7 : i32 to vector<128xi32>
    %ge3A_27 = arith.cmpi sge, %add3A_26, %ge3A : vector<128xi32>
    %lt3A = vector.broadcast %get3A_9 : i32 to vector<128xi32>
    %lt3A_28 = arith.cmpi slt, %add3A_26, %lt3A : vector<128xi32>
    %and3A = arith.andi %ge3A_27, %lt3A_28 : vector<128xi1>
    %jit3A = arith.constant 0.000000e+00 : f32
    %broadcast_in_dim3A = vector.broadcast %jit3A : f32 to vector<128xf32>
    %select_n3A = arith.select %and3A, %reduce_sum3A_22, %broadcast_in_dim3A : vector<128xi1>, vector<128xf32>
    %get3A_29 = arith.constant 0 : index
    %get3A_30 = vector.load %arg8[%get3A_29] : memref<128xf32, #tpu.memory_space<vmem>>, vector<128xf32>
    %add3A_31 = arith.addf %get3A_30, %select_n3A : vector<128xf32>
    %select_n3A_32 = arith.select %or3A, %select_n3A, %add3A_31 : vector<128xf32>
    %swap3A = arith.constant 0 : index
    %swap3A_33 = vector.load %arg8[%swap3A] : memref<128xf32, #tpu.memory_space<vmem>>, vector<128xf32>
    tpu.vector_store %arg8[%swap3A], %select_n3A_32 {strides = array<i32>} : memref<128xf32, #tpu.memory_space<vmem>>, vector<128xf32>,
    return
  }
  func.func @transform_0(%arg0: i32, %arg1: memref<628xi32, #tpu.memory_space<smem>>, %arg2: memref<628xi32, #tpu.memory_space<smem>>, %arg3: memref<628xi32, #tpu.memory_space<smem>>, %arg4: memref<628xi32, #tpu.memory_space<smem>>) -> (i32, i32, i32) {
    %get3A = arith.index_cast %arg0 : i32 to index
    %get3A_0 = memref.load %arg1[%get3A] : memref<628xi32, #tpu.memory_space<smem>>
    %c0_i32 = arith.constant 0 : i32
    %c0_i32_1 = arith.constant 0 : i32
    %c0_i32_2 = arith.constant 0 : i32
    return %get3A_0, %c0_i32, %c0_i32_1 : i32, i32, i32
  }
  func.func @transform_1(%arg0: i32, %arg1: memref<628xi32, #tpu.memory_space<smem>>, %arg2: memref<628xi32, #tpu.memory_space<smem>>, %arg3: memref<628xi32, #tpu.memory_space<smem>>, %arg4: memref<628xi32, #tpu.memory_space<smem>>) -> (i32, i32) {
    %get3A = arith.index_cast %arg0 : i32 to index
    %get3A_0 = memref.load %arg2[%get3A] : memref<628xi32, #tpu.memory_space<smem>>
    %c0_i32 = arith.constant 0 : i32
    %c0_i32_1 = arith.constant 0 : i32
    return %get3A_0, %c0_i32 : i32, i32
  }
  func.func @transform_2(%arg0: i32, %arg1: memref<628xi32, #tpu.memory_space<smem>>, %arg2: memref<628xi32, #tpu.memory_space<smem>>, %arg3: memref<628xi32, #tpu.memory_space<smem>>, %arg4: memref<628xi32, #tpu.memory_space<smem>>) -> (i32, i32) {
    %get3A = arith.index_cast %arg0 : i32 to index
    %get3A_0 = memref.load %arg2[%get3A] : memref<628xi32, #tpu.memory_space<smem>>
    %c0_i32 = arith.constant 0 : i32
    %c0_i32_1 = arith.constant 0 : i32
    return %get3A_0, %c0_i32 : i32, i32
  }
  func.func @transform_3(%arg0: i32, %arg1: memref<628xi32, #tpu.memory_space<smem>>, %arg2: memref<628xi32, #tpu.memory_space<smem>>, %arg3: memref<628xi32, #tpu.memory_space<smem>>, %arg4: memref<628xi32, #tpu.memory_space<smem>>) -> i32 {
    %get3A = arith.index_cast %arg0 : i32 to index
    %get3A_0 = memref.load %arg2[%get3A] : memref<628xi32, #tpu.memory_space<smem>>
    %c0_i32 = arith.constant 0 : i32
    return %get3A_0 : i32
  }
}

</mosaic_0001>

<sc_bundles>
// kernel: gather_offload_async_start.1
scs
__scs_entry_jumppad:
0x0: {  	(pc) =	sbr.rel $0x88, $3  }
0x1: {  	(tag) =	ssettag $0x0;
	lr =	simm.s32 $0x1  }
0x2: {  	[smem:$0x3F9C] =	sst lr;
	_ =	strace $0xD0000000  }
0x3: {  	_ = 	snop  }
0x4: {  	_ = 	snop  }
0x5: {  	_ = 	snop  }
0x6: {  	_ = 	snop  }
0x7: {  	_ = 	snop  }
__scs_overlays_trampoline_lowered:
0x8: {  	[smem:$0x3FAB] =	sst s0  }
0x9: {  	[smem:$0x3FAC] =	sst s1  }
0xa: {  	[smem:$0x3FAD] =	sst s2  }
0xb: {  	[smem:$0x3FAE] =	sst s3  }
0xc: {  	[smem:$0x3FAF] =	sst s4  }
0xd: {  	[smem:$0x3FB0] =	sst s5  }
0xe: {  	[smem:$0x3FB1] =	sst s6  }
0xf: {  	[smem:$0x3FB2] =	sst s7  }
0x10: {  	[smem:$0x3FB3] =	sst s8  }
0x11: {  	[smem:$0x3FB4] =	sst s9;
	s0 =	simm.s32 @!p0 $0x0  }
0x12: {  	s1 =	sld [smem:$0x3F9A];
	s0 =	simm.s32 @p0 $0x1  }
0x13: {  	[smem:$0x3FB5] =	sst s0;
	s0 =	simm.s32 @!p1 $0x0  }
0x14: {  	s2 =	sld [smem:$0x3F99];
	s0 =	simm.s32 @p1 $0x1  }
0x15: {  	[smem:$0x3FB6] =	sst s0;
	s0 =	simm.s32 @!p2 $0x0  }
0x16: {  	s3 =	sld [smem:$0x3FDB];
	s0 =	simm.s32 @p2 $0x1  }
0x17: {  	s4 =	simm.s32 $0x1BF5;
	[smem:$0x3FB8] =	sst s0  }
0x18: {  	s0 =	sld [smem:$0x3F9B];
	_ =	swait.ge [sflag:s4], $0x0  }
0x19: {  	s7 =	sld [smem:$0x3F9C]  }
0x1a: {  	s8 =	sadd.s32 $0xFFFFE003, lr  }
0x1b: {  	s9 =	sadd.s32 $0xFFFFFEF7, lr;
	s5 =	simm.s32 $0xFFFFFFFF;
	p2 =	slt.u32 s8, $0xFFFFF086  }
0x1c: {  	p1 =	slt.u32 s9, $0xF7A;
	s5 =	simm.s32 @!p2 $0x0  }
0x1d: {  	s5 =	simm.s32 @p1 $0x1;
	p0 =	seq.s32 s7, s2  }
0x1e: {  	s7 =	smul.u32 @!p0 $0xF7A, s2;
	p2 =	seq.s32 @!p0 s5, $0x0  }
0x1f: {  	s9 =	smul.u32 $0xF7A, s1;
	s8 =	simm.s32 @!p0 $0x1BF5;
	p2 =	por !p2, p0  }
0x20: {  	[sflag:s8] =	ssyncset.s32 @!p0 $0xFFFFF086;
	s6 =	sadd.s32 @!p0 s3, s7;
	s7 =	simm.s32 @!p0 $0x108  }
0x21: {  	s3 =	sadd.s32 s3, s9;
	s6 =	sadd.s32 @!p0 $0x88, s6;
	s7 =	simm.s32 @p2 $0x1082  }
0x22: {  	[simem:s7], [sflag:s8] =	dma.local @!p0 [hbm:s6], $0xF7A  }
0x23: {  	s9 =	sor.u32 $0xD0000000, s2;
	s6 =	simm.s32 $0x108;
	_ =	swait.ge @!p0 [sflag:s8], $0x0  }
0x24: {  	s3 =	sadd.s32 $0x88, s3;
	s6 =	simm.s32 @!p1 $0x1082;
	[sflag:s4] =	ssyncset.s32 $0xFFFFF086  }
0x25: {  	[simem:s6], [sflag:s4] =	dma.local [hbm:s3], $0xF7A  }
0x26: {  	[smem:$0x3F9C] =	sst s1;
	(tag) =	ssettag s2;
	_ =	strace s9  }
0x27: {  	s1 =	sld [smem:$0x3FAC]  }
0x28: {  	s2 =	sld [smem:$0x3FAD]  }
0x29: {  	s4 =	sld [smem:$0x3FAF]  }
0x2a: {  	p0 =	seq.s32 s5, $0x0;
	s5 =	sld [smem:$0x3FB0]  }
0x2b: {  	s6 =	sld [smem:$0x3FB1]  }
0x2c: {  	s7 =	sld [smem:$0x3FB2]  }
0x2d: {  	s3 =	simm.s32 $0x108;
	s8 =	sld [smem:$0x3FB3]  }
0x2e: {  	s3 =	simm.s32 @!p0 $0x1082;
	s9 =	sld [smem:$0x3FB4]  }
0x2f: {  	lr =	sadd.s32 s0, s3;
	s0 =	sld [smem:$0x3FAB]  }
0x30: {  	s3 =	sld [smem:$0x3FAE]  }
0x31: {  	[smem:$0x3FB7] =	sst s10  }
0x32: {  	s10 =	sld [smem:$0x3FB5];
	_ =	sdelay $0x3  }
0x33: {  	p0 =	seq.s32 s10, $0x1;
	s10 =	sld [smem:$0x3FB7];
	_ =	sdelay $0x3  }
0x34: {  	[smem:$0x3FB7] =	sst s10  }
0x35: {  	s10 =	sld [smem:$0x3FB6];
	_ =	sdelay $0x3  }
0x36: {  	p1 =	seq.s32 s10, $0x1;
	s10 =	sld [smem:$0x3FB7];
	_ =	sdelay $0x3  }
0x37: {  	[smem:$0x3FB7] =	sst s10  }
0x38: {  	s10 =	sld [smem:$0x3FB8]  }
0x39: {  	_ = 	snop;
	(pc) =	sbr.ind lr, $3  }
0x3a: {  	_ = 	snop  }
0x3b: {  	_ = 	snop  }
0x3c: {  	p2 =	seq.s32 s10, $0x1;
	s10 =	sld [smem:$0x3FB7]  }
0x3d: {  	_ =	shalt  }
0x3e: {  	_ =	shalt  }
0x3f: {  	_ =	shalt  }
0x40: {  	_ =	shalt  }
0x41: {  	_ =	shalt  }
0x42: {  	_ =	shalt  }
0x43: {  	_ =	shalt  }
0x44: {  	_ =	shalt  }
0x45: {  	_ =	shalt  }
0x46: {  	_ =	shalt  }
0x47: {  	_ =	shalt  }
0x48: {  	_ =	shalt  }
0x49: {  	_ =	shalt  }
0x4a: {  	_ =	shalt  }
0x4b: {  	_ =	shalt  }
0x4c: {  	_ =	shalt  }
0x4d: {  	_ =	shalt  }
0x4e: {  	_ =	shalt  }
0x4f: {  	_ =	shalt  }
0x50: {  	_ =	shalt  }
0x51: {  	_ =	shalt  }
0x52: {  	_ =	shalt  }
0x53: {  	_ =	shalt  }
0x54: {  	_ =	shalt  }
0x55: {  	_ =	shalt  }
0x56: {  	_ =	shalt  }
0x57: {  	_ =	shalt  }
0x58: {  	_ =	shalt  }
0x59: {  	_ =	shalt  }
0x5a: {  	_ =	shalt  }
0x5b: {  	_ =	shalt  }
0x5c: {  	_ =	shalt  }
0x5d: {  	_ =	shalt  }
0x5e: {  	_ =	shalt  }
0x5f: {  	_ =	shalt  }
0x60: {  	_ =	shalt  }
0x61: {  	_ =	shalt  }
0x62: {  	_ =	shalt  }
0x63: {  	_ =	shalt  }
0x64: {  	_ =	shalt  }
0x65: {  	_ =	shalt  }
0x66: {  	_ =	shalt  }
0x67: {  	_ =	shalt  }
0x68: {  	_ =	shalt  }
0x69: {  	_ =	shalt  }
0x6a: {  	_ =	shalt  }
0x6b: {  	_ =	shalt  }
0x6c: {  	_ =	shalt  }
0x6d: {  	_ =	shalt  }
0x6e: {  	_ =	shalt  }
0x6f: {  	_ =	shalt  }
0x70: {  	_ =	shalt  }
0x71: {  	_ =	shalt  }
0x72: {  	_ =	shalt  }
0x73: {  	_ =	shalt  }
0x74: {  	_ =	shalt  }
0x75: {  	_ =	shalt  }
0x76: {  	_ =	shalt  }
0x77: {  	_ =	shalt  }
0x78: {  	_ =	shalt  }
0x79: {  	_ =	shalt  }
0x7a: {  	_ =	shalt  }
0x7b: {  	_ =	shalt  }
0x7c: {  	_ =	shalt  }
0x7d: {  	_ =	shalt  }
0x7e: {  	_ =	shalt  }
0x7f: {  	_ =	shalt  }
0x80: {  	_ =	shalt  }
0x81: {  	_ =	shalt  }
0x82: {  	_ =	shalt  }
0x83: {  	_ =	shalt  }
0x84: {  	_ =	shalt  }
0x85: {  	_ =	shalt  }
0x86: {  	_ =	shalt  }
0x87: {  	_ =	shalt  }
.Lfunc_end0:
.L_simem_size_0:
called_computation.1_lowered:
.L_overlay_start_0:
0x88: {  	s2 =	sld [smem:$0x3FD9]  }
0x89: {  	s3 =	sld [smem:$0x3FFE];
	_ =	sdelay $0x1  }
0x8a: {  	s1 =	srdreg.scid  }
0x8b: {  	s0 =	sand.u32 $0x1, s1  }
0x8c: {  	s17 =	sshll.u32 s0, $0xA;
	s2 =	sadd.s32 s3, s2  }
0x8d: {  	s2 =	sadd.s32 s2, s17  }
0x8e: {  	[smem:$0x3FC3] =	sst s2  }
0x8f: {  	_ = 	snop  }
0x90: {  	s18 =	sld [smem:$0x3FC9];
	(tm) =	ssettm $0x1  }
0x91: {  	s19 =	sld [smem:$0x3FFB];
	_ =	sdelay $0x3  }
0x92: {  	_ =	strace s19  }
0x93: {  	s2 =	sld [smem:$0x3FFC];
	_ =	sdelay $0x3  }
0x94: {  	_ =	strace s2  }
0x95: {  	s2 =	sld [smem:$0x3FFD];
	_ =	sdelay $0x3  }
0x96: {  	_ =	strace s2  }
0x97: {  	_ =	strace $0x8FFFFFFF  }
0x98: {  	s20 =	sld [smem:$0x3FDB];
	_ =	sdelay $0x1  }
0x99: {  	s4 =	simm.s32 $_scs_section_size  }
0x9a: {  	s5 =	simm.s32 $_size__tile_overlayer_lowered;
	s6 =	simm.s32 $_tile_overlayer_lowered  }
0x9b: {  	s7 =	simm.s32 $0x1BFF;
	s21 =	sshll.u32 s6, $0x1;
	s4 =	sadd.s32 s4, s20  }
0x9c: {  	s22 =	simm.s32 $0x0;
	s5 =	sshll.u32 s5, $0x1;
	s6 =	sadd.s32 s21, s4  }
0x9d: {  	[timem:s22], [sflag:s7] =	dma.local [hbm:s6], s5  }
0x9e: {  	_ =	swait.ge [sflag:s7], s5  }
0x9f: {  	s5 =	ssub.s32 $0x0, s5;
	[sflag:s7] =	ssyncset.done $0x0  }
0xa0: {  	[sflag:s7] =	ssyncadd.s32 s5;
	_ =	sdelay $0x1  }
0xa1: {  	s23 =	simm.s32 $0x1B8B  }
0xa2: {  	_ =	swait.ge [sflag:s23], $0x1  }
0xa3: {  	[sflag:s23] =	ssyncset.done $0x0  }
0xa4: {  	[sflag:s23] =	ssyncadd.s32 $0xFFFFFFFF  }
0xa5: {  	s5 =	sld [smem:$0x0]  }
0xa6: {  	s6 =	sand.u32 $0xFFFFFFFE, s1  }
0xa7: {  	p0 =	sne.s32 s1, s6  }
0xa8: {  	s6 =	sshll.u32 @p0 s6, $0xE  }
0xa9: {  	s6 =	sadd.s32 @p0 $0x11B8D, s6;
	s7 =	sshll.u32 @p0 s5, $0x11  }
0xaa: {  	s6 =	sor.u32 @p0 s7, s6  }
0xab: {  	[sflag:s6] =	ssyncadd.remote.s32 @p0 $0x1;
	_ =	sdelay $0x1  }
0xac: {  	s6 =	simm.s32 @p0 $0x1B8D  }
0xad: {  	_ =	swait.eq @p0 [sflag:s6], $0x1  }
0xae: {  	[sflag:s6] =	ssyncadd.s32 @p0 $0xFFFFFFFF  }
0xaf: {  	s7 =	sshll.u32 @!p0 s1, $0xE  }
0xb0: {  	s7 =	sor.u32 @!p0 $0x4000, s7;
	s6 =	simm.s32 @!p0 $0x1B8D  }
0xb1: {  	s5 =	sshll.u32 @!p0 s5, $0x11;
	s7 =	sadd.s32 @!p0 $0x11B8D, s7;
	_ =	swait.eq @!p0 [sflag:s6], $0x1  }
0xb2: {  	s5 =	sor.u32 @!p0 s5, s7;
	[sflag:s6] =	ssyncadd.s32 @!p0 $0xFFFFFFFF  }
0xb3: {  	s25 =	simm.s32 $0x1B8E;
	s24 =	sld [smem:$0x3FFE];
	[sflag:s5] =	ssyncadd.remote.s32 @!p0 $0x1  }
0xb4: {  	s26 =	simm.s32 $execute0_lowered;
	[smem:$0x3FD2] =	sst s25  }
0xb5: {  	s6 =	sshll.u32 s26, $0x1;
	_ =	strace $0x80000049;
	[dreg:$0x1] =	wrdreg $0xFFFFFFFF  }
0xb6: {  	s28 =	simm.s32 $_size_execute0_lowered;
	s4 =	sadd.s32 s4, s6;
	[dreg:$0x0] =	wrdreg $0x0  }
0xb7: {  	s6 =	sshll.u32 s28, $0x1;
	[dreg:$0x2] =	wrdreg s4  }
0xb8: {  	[dreg:$0x3] =	wrdreg s6  }
0xb9: {  	[dreg:$0x4] =	wrdreg $0xC0  }
0xba: {  	_ =	task [dreg:s22], $0x5FFFF  }
0xbb: {  	[dreg:$0x1] =	wrdreg $0xFFFFFFFF  }
0xbc: {  	[dreg:$0x0] =	wrdreg $0x60  }
0xbd: {  	[dreg:$0x2] =	wrdreg s18  }
0xbe: {  	[dreg:$0x3] =	wrdreg s24  }
0xbf: {  	[dreg:$0x4] =	wrdreg $0x9  }
0xc0: {  	_ =	task.clear_ibuf [dreg:s22], $0x5FFFF;
	_ =	strace $0x90000049  }
0xc1: {  	s29 =	simm.s32 $0x9;
	_ =	strace $0x8000004B  }
0xc2: {  	_ =	swait.ge [sflag:s29], $0x1  }
0xc3: {  	[sflag:s29] =	ssyncadd.s32 $0xFFFFFFFF  }
0xc4: {  	_ =	strace $0x9000004B  }
0xc5: {  	_ =	sfence  }
0xc6: {  	s30 =	sld [smem:$0x0];
	_ =	sdelay $0x2  }
0xc7: {  	s31 =	sshll.u32 s1, $0xD;
	s1 =	sshrl.u32 s1, $0x2  }
0xc8: {  	s4 =	sand.u32 $0x4000, s31;
	s1 =	sadd.s32 s1, s30  }
0xc9: {  	s0 =	sor.u32 s4, s0;
	s1 =	sshll.u32 s1, $0x11  }
0xca: {  	s0 =	sor.u32 s1, s0  }
0xcb: {  	s0 =	sadd.s32 $0x8F2B, s0  }
0xcc: {  	[sflag:s0] =	ssyncadd.remote.s32 $0x1  }
0xcd: {  	_ =	sfence.sel $0xFFFF  }
0xce: {  	[dreg:$0x0] =	wrdreg $0xFFFFFFFF;
	(pc) =	sbr.abs _section_cstart, $3  }
0xcf: {  	[dreg:$0x1] =	wrdreg $0xFFFFFFFF  }
0xd0: {  	_ =	task.clear_ibuf [dreg:s22], $0x2FFFF;
	_ =	strace $0x9FFFFFFF  }
0xd1: {  	(tm) =	ssettm $0x7FFFFFFF  }
tec
execute0_lowered:
.L_overlay_start_1:
0x0: {  	(tag) =	ssettag $0x1  }
0x1: {  	s1 =	srdreg.scid;
	s2 =	rddreg [dreg:$0x0]  }
0x2: {  	s0 =	stileid.u32;
	s5 =	rddreg [dreg:$0x1];
	s6 =	simm.s32 $0x1  }
0x3: {  	s9 =	simm.s32 $0x1;
	s10 =	simm.s32 $0x3;
	s1 =	sshll.u32 s1, $0x8  }
0x4: {  	s13 =	simm.s32 $0x0;
	s3 =	sshll.u32 s0, $0x9;
	s4 =	sand.u32 $0x100, s1  }
0x5: {  	s12 =	simm.s32 $0x0;
	s1 =	rddreg [dreg:$0x2];
	s3 =	sor.u32 s3, s4  }
0x6: {  	_ =	strace $0x8000004A;
	s4 =	sadd.s32 $0x800, s5;
	s8 =	ssub.s32 $0x4000, s3  }
.Ltmp0:
0x7: {  	s5 =	sadd.s32 $0x2000, s5;
	s7 =	sand.u32 $0x1F00, s8;
	(pc) =	sbr.rel .LBB2_1-.Ltmp0, $4  }
0x8: {  	[sflag:s6] =	ssyncpa.u1 $0x0;
	s11 =	smov.u32 s3;
	p0 =	sne.s32 s7, $0x0  }
0x9: {  	s8 =	sshrl.u32 s8, $0xD;
	s7 =	simm.s32 $0x2;
	s9 =	simm.s32 @!p0 $0x0  }
0xa: {  	[sflag:s7] =	ssyncpa.u1 $0x0;
	p0 =	por $0x0, $0x0;
	s8 =	sadd.s32 s9, s8  }
0xb: {  	vm0 =	vmmov $0xffff;
	[sflag:s10] =	ssyncpa.u1 $0x0;
	s10 =	simm.s32 $0x0;
	s9 =	sadd.s32 $0x1, s8  }
.LBB2_4:
0xc: {  	v2 =	vnsel vm1, $0x0, v2  }
0xd: {  	vm1 =	vgt.s32 v0, $0x0;
	v2 =	vmin.u32 v2, $0x3FFF  }
0xe: {  	v0 =	vnsel vm1, $0x0, v0  }
0xf: {  	v0 =	vmin.u32 v0, $0x3FFF  }
0x10: {  	[tilespmem:s15], [sflag:$0x1] =	stream.indirect_vreg.gather [hbm4b:s2+s10], $0x1, v1, vm0, $0x4038;
	[tilespmem:$0x400] =	vst v63  }
0x11: {  	(ifvalue) =	ssetifvalue $0x7FFFFFFF  }
0x12: {  	[tilespmem:s16], [sflag:$0x1] =	stream.indirect_vreg.gather [hbm4b:s2+s10], $0x1, v2, vm0, $0x4038;
	[tilespmem:$0x400] =	vst v63  }
0x13: {  	s29 =	sadd.s32 $0x10, s16;
	(ifvalue) =	ssetifvalue $0x7FFFFFFF  }
0x14: {  	[tilespmem:s29], [sflag:$0x1] =	stream.indirect_vreg.gather [hbm4b:s2+s10], $0x1, v0, vm0, $0x4038;
	[tilespmem:$0x400] =	vst v63  }
0x15: {  	_ =	swait.ge [sflag:s6], $0x100  }
0x16: {  	s30 =	sshrl.u32 s13, $0x3;
	[sflag:s6] =	ssyncset.done $0x0  }
0x17: {  	s31 =	sand.u32 $0x7, s13;
	s15 =	sadd.s32 s5, s30;
	[sflag:s6] =	ssyncadd.s32 $0xFFFFFF00  }
0x18: {  	[hbm4b:s15+s31] =	stream.linear.scatter [tilespmem:s14], [sflag:$0x3], $0x100, $0x38;
	[tilespmem:$0x400] =	vst v63  }
.LBB2_5:
0x19: {  	s15 =	sadd.s32 $0x2000, s11  }
0x1a: {  	p2 =	sgt.s32 s15, $0x3FFF  }
0x1b: {  	s15 =	smov.u32 @p2 s3;
	p2 =	sne.s32 s12, s9  }
.Ltmp1:
0x1c: {  	p1 =	slt.u32 s12, $0x2;
	(pc) =	sbr.rel @!p2 .LBB2_6-.Ltmp1, $4  }
0x1d: {  	s14 =	simm.s32 @!p1 $0x3  }
0x1e: {  	s16 =	sadd.s32 $0x1, s12;
	_ =	swait.ge @!p1 [sflag:s14], $0x100  }
0x1f: {  	s13 =	smov.u32 s11;
	p0 =	por !p0, !p0;
	[sflag:s14] =	ssyncset.done @!p1 $0x0  }
0x20: {  	s12 =	smov.u32 s16;
	s11 =	smov.u32 s15;
	[sflag:s14] =	ssyncadd.s32 @!p1 $0xFFFFFF00  }
.LBB2_1:
0x21: {  	p1 =	sge.u32 s12, s8  }
0x22: {  	s14 =	sxor.u32 @!p1 $0xFFFFFFFF, s12  }
0x23: {  	s31 =	sadd.s32 $0xFFFFFFFF, s12;
	s15 =	sshrl.u32 @!p1 s11, $0x3;
	s14 =	sshll.u32 @!p1 s14, $0x8  }
0x24: {  	s16 =	sand.u32 @!p1 $0x7, s11;
	s15 =	sadd.s32 @!p1 s4, s15;
	s14 =	sand.u32 @!p1 $0x100, s14  }
0x25: {  	[tilespmem:s14], [sflag:$0x2] =	stream.linear.gather @!p1 [hbm4b:s15+s16], $0x100, $0x38;
	[tilespmem:$0x400] =	vst v63  }
0x26: {  	p1 =	sge.u32 s31, s8  }
.Ltmp2:
0x27: {  	_ = 	snop;
	(pc) =	sbr.rel @p1 .LBB2_5-.Ltmp2, $1  }
0x28: {  	_ =	sdelay $0x3  }
0x29: {  	s14 =	simm.s32 $0x1  }
0x2a: {  	_ =	swait.ge [sflag:s7], $0x100;
	s14 =	simm.s32 @!p0 $0x0  }
0x2b: {  	[sflag:s7] =	ssyncset.done $0x0;
	s14 =	sshll.u32 s14, $0x8  }
0x2c: {  	[sflag:s7] =	ssyncadd.s32 $0xFFFFFF00;
	(ifvalue) =	ssetifvalue $0x7FFFFFFF;
	v0 =	vld.msk [tilespmem:s14+$0x0 ss:$0x1], $0xffff;
	_ =	sdelay $0x4  }
0x2d: {  	s15 =	sadd.s32 $0x10, s14;
	vm1 =	vgt.s32 v0, $0x0  }
0x2e: {  	v2 =	vld.msk [tilespmem:s15+$0x0 ss:$0x1], $0xffff;
	v1 =	vnsel vm1, $0x0, v0  }
0x2f: {  	v1 =	vmin.u32 v1, $0x3FFF;
	_ =	sdelay $0x1  }
0x30: {  	s16 =	sshll.u32 s12, $0x8;
	s18 =	simm.s32 $0x20  }
0x31: {  	s16 =	sand.u32 $0x100, s16;
	s17 =	sadd.s32 $0x10, s15;
	s15 =	sor.u32 $0x200, s14  }
0x32: {  	s14 =	sor.u32 $0x200, s16;
	s16 =	sadd.s32 $0x10, s15;
	v0 =	vld.msk [tilespmem:s17+$0x0 ss:$0x1], $0xffff;
	vm1 =	vgt.s32 v2, $0x0;
	(ifvalue) =	ssetifvalue $0x7FFFFFFF  }
.LBB2_3:
0x33: {  	[tilespmem:s15], [sflag:$0x1] =	stream.indirect_vreg.gather [hbm4b:s2+s10], $0x1, v1, vm0, $0x4038;
	[tilespmem:$0x400] =	vst v63  }
0x34: {  	s18 =	sadd.s32 $0x10, s18  }
0x35: {  	v2 =	vnsel vm1, $0x0, v2;
	p1 =	slt.u32 s18, $0xF0  }
.Ltmp3:
0x36: {  	s15 =	smov.u32 s16;
	v1 =	vmin.u32 v2, $0x3FFF;
	(pc) =	sbr.rel @p1 .LBB2_3-.Ltmp3, $3  }
0x37: {  	_ =	sdelay $0x1  }
0x38: {  	s17 =	sadd.s32 $0x10, s17  }
0x39: {  	vm1 =	vgt.s32 v0, $0x0;
	s16 =	sadd.s32 $0x10, s16;
	v2 =	vmov v0;
	(ifvalue) =	ssetifvalue $0x7FFFFFFF;
	v0 =	vld.msk [tilespmem:s17+$0x0 ss:$0x1], $0xffff  }
.Ltmp4:
0x3a: {  	_ = 	snop;
	(pc) =	sbr.rel .LBB2_4-.Ltmp4, $1  }
0x3b: {  	_ =	sdelay $0x3  }
.LBB2_6:
0x3c: {  	_ =	sfence.sel $0x180000  }
0x3d: {  	s2 =	simm.s32 $0x2;
	[bflag:$0x0] =	sbarrier.arrive $0xFFFF  }
0x3e: {  	s30 =	simm.s32 $0x3;
	[sflag:s2] =	ssyncpa.u1 $0x1  }
0x3f: {  	s31 =	simm.s32 $0x1;
	[sflag:s30] =	ssyncpa.u1 $0x1  }
0x40: {  	[sflag:s31] =	ssyncpa.u1 $0x1  }
0x41: {  	p0 =	sne.s32 s0, $0x0;
	_ =	strace $0x9000004A  }
0x42: {  	s0 =	sadd.s32 @!p0 $0x100000, s1;
	[bflag:$0x2] =	sbarrier.arrive $0xFFFF  }
0x43: {  	[sflag:s0] =	ssyncadd.tile.s32 @!p0 $0x1;
	_ =	shalt  }
.Lfunc_end2:
_tile_overlayer_lowered:
.L_overlay_start_2:
0x44: {  	(tag) =	ssettag $0x2  }
0x45: {  	s0 =	rddreg [dreg:$0x0];
	s2 =	stileid.u32  }
0x46: {  	s1 =	rddreg [dreg:$0x1];
	p0 =	sne.s32 s2, $0x0  }
0x47: {  	s3 =	rddreg [dreg:$0x2];
	[bflag:$0x3] =	sbarrier.arrive $0xFFFF;
	s2 =	simm.s32 @!p0 $0x1C01  }
0x48: {  	[timem:s3], [sflag:s2] =	dma.local @!p0 [hbm:s0], s1  }
0x49: {  	s0 =	simm.s32 @!p0 $0x1  }
0x4a: {  	_ =	swait.ge @!p0 [sflag:s0], s1  }
0x4b: {  	s1 =	ssub.s32 @!p0 $0x0, s1;
	[sflag:s0] =	ssyncset.done @!p0 $0x0  }
0x4c: {  	[sflag:s0] =	ssyncadd.s32 @!p0 s1  }
0x4d: {  	[bflag:$0x3] =	sbarrier.arrive $0xFFFF  }
0x4e: {  	_ =	shalt  }

// kernel: gather_offload_async_start.2
scs
__scs_entry_jumppad:
0x0: {  	(pc) =	sbr.rel $0x88, $3  }
0x1: {  	(tag) =	ssettag $0x0;
	lr =	simm.s32 $0x1  }
0x2: {  	[smem:$0x3F9C] =	sst lr;
	_ =	strace $0xD0000000  }
0x3: {  	_ = 	snop  }
0x4: {  	_ = 	snop  }
0x5: {  	_ = 	snop  }
0x6: {  	_ = 	snop  }
0x7: {  	_ = 	snop  }
__scs_overlays_trampoline_lowered:
0x8: {  	[smem:$0x3FAB] =	sst s0  }
0x9: {  	[smem:$0x3FAC] =	sst s1  }
0xa: {  	[smem:$0x3FAD] =	sst s2  }
0xb: {  	[smem:$0x3FAE] =	sst s3  }
0xc: {  	[smem:$0x3FAF] =	sst s4  }
0xd: {  	[smem:$0x3FB0] =	sst s5  }
0xe: {  	[smem:$0x3FB1] =	sst s6  }
0xf: {  	[smem:$0x3FB2] =	sst s7  }
0x10: {  	[smem:$0x3FB3] =	sst s8  }
0x11: {  	[smem:$0x3FB4] =	sst s9;
	s0 =	simm.s32 @!p0 $0x0  }
0x12: {  	s1 =	sld [smem:$0x3F9A];
	s0 =	simm.s32 @p0 $0x1  }
0x13: {  	[smem:$0x3FB5] =	sst s0;
	s0 =	simm.s32 @!p1 $0x0  }
0x14: {  	s2 =	sld [smem:$0x3F99];
	s0 =	simm.s32 @p1 $0x1  }
0x15: {  	[smem:$0x3FB6] =	sst s0;
	s0 =	simm.s32 @!p2 $0x0  }
0x16: {  	s3 =	sld [smem:$0x3FDB];
	s0 =	simm.s32 @p2 $0x1  }
0x17: {  	s4 =	simm.s32 $0x1BF5;
	[smem:$0x3FB8] =	sst s0  }
0x18: {  	s0 =	sld [smem:$0x3F9B];
	_ =	swait.ge [sflag:s4], $0x0  }
0x19: {  	s7 =	sld [smem:$0x3F9C]  }
0x1a: {  	s8 =	sadd.s32 $0xFFFFE003, lr  }
0x1b: {  	s9 =	sadd.s32 $0xFFFFFEF7, lr;
	s5 =	simm.s32 $0xFFFFFFFF;
	p2 =	slt.u32 s8, $0xFFFFF086  }
0x1c: {  	p1 =	slt.u32 s9, $0xF7A;
	s5 =	simm.s32 @!p2 $0x0  }
0x1d: {  	s5 =	simm.s32 @p1 $0x1;
	p0 =	seq.s32 s7, s2  }
0x1e: {  	s7 =	smul.u32 @!p0 $0xF7A, s2;
	p2 =	seq.s32 @!p0 s5, $0x0  }
0x1f: {  	s9 =	smul.u32 $0xF7A, s1;
	s8 =	simm.s32 @!p0 $0x1BF5;
	p2 =	por !p2, p0  }
0x20: {  	[sflag:s8] =	ssyncset.s32 @!p0 $0xFFFFF086;
	s6 =	sadd.s32 @!p0 s3, s7;
	s7 =	simm.s32 @!p0 $0x108  }
0x21: {  	s3 =	sadd.s32 s3, s9;
	s6 =	sadd.s32 @!p0 $0x88, s6;
	s7 =	simm.s32 @p2 $0x1082  }
0x22: {  	[simem:s7], [sflag:s8] =	dma.local @!p0 [hbm:s6], $0xF7A  }
0x23: {  	s9 =	sor.u32 $0xD0000000, s2;
	s6 =	simm.s32 $0x108;
	_ =	swait.ge @!p0 [sflag:s8], $0x0  }
0x24: {  	s3 =	sadd.s32 $0x88, s3;
	s6 =	simm.s32 @!p1 $0x1082;
	[sflag:s4] =	ssyncset.s32 $0xFFFFF086  }
0x25: {  	[simem:s6], [sflag:s4] =	dma.local [hbm:s3], $0xF7A  }
0x26: {  	[smem:$0x3F9C] =	sst s1;
	(tag) =	ssettag s2;
	_ =	strace s9  }
0x27: {  	s1 =	sld [smem:$0x3FAC]  }
0x28: {  	s2 =	sld [smem:$0x3FAD]  }
0x29: {  	s4 =	sld [smem:$0x3FAF]  }
0x2a: {  	p0 =	seq.s32 s5, $0x0;
	s5 =	sld [smem:$0x3FB0]  }
0x2b: {  	s6 =	sld [smem:$0x3FB1]  }
0x2c: {  	s7 =	sld [smem:$0x3FB2]  }
0x2d: {  	s3 =	simm.s32 $0x108;
	s8 =	sld [smem:$0x3FB3]  }
0x2e: {  	s3 =	simm.s32 @!p0 $0x1082;
	s9 =	sld [smem:$0x3FB4]  }
0x2f: {  	lr =	sadd.s32 s0, s3;
	s0 =	sld [smem:$0x3FAB]  }
0x30: {  	s3 =	sld [smem:$0x3FAE]  }
0x31: {  	[smem:$0x3FB7] =	sst s10  }
0x32: {  	s10 =	sld [smem:$0x3FB5];
	_ =	sdelay $0x3  }
0x33: {  	p0 =	seq.s32 s10, $0x1;
	s10 =	sld [smem:$0x3FB7];
	_ =	sdelay $0x3  }
0x34: {  	[smem:$0x3FB7] =	sst s10  }
0x35: {  	s10 =	sld [smem:$0x3FB6];
	_ =	sdelay $0x3  }
0x36: {  	p1 =	seq.s32 s10, $0x1;
	s10 =	sld [smem:$0x3FB7];
	_ =	sdelay $0x3  }
0x37: {  	[smem:$0x3FB7] =	sst s10  }
0x38: {  	s10 =	sld [smem:$0x3FB8]  }
0x39: {  	_ = 	snop;
	(pc) =	sbr.ind lr, $3  }
0x3a: {  	_ = 	snop  }
0x3b: {  	_ = 	snop  }
0x3c: {  	p2 =	seq.s32 s10, $0x1;
	s10 =	sld [smem:$0x3FB7]  }
0x3d: {  	_ =	shalt  }
0x3e: {  	_ =	shalt  }
0x3f: {  	_ =	shalt  }
0x40: {  	_ =	shalt  }
0x41: {  	_ =	shalt  }
0x42: {  	_ =	shalt  }
0x43: {  	_ =	shalt  }
0x44: {  	_ =	shalt  }
0x45: {  	_ =	shalt  }
0x46: {  	_ =	shalt  }
0x47: {  	_ =	shalt  }
0x48: {  	_ =	shalt  }
0x49: {  	_ =	shalt  }
0x4a: {  	_ =	shalt  }
0x4b: {  	_ =	shalt  }
0x4c: {  	_ =	shalt  }
0x4d: {  	_ =	shalt  }
0x4e: {  	_ =	shalt  }
0x4f: {  	_ =	shalt  }
0x50: {  	_ =	shalt  }
0x51: {  	_ =	shalt  }
0x52: {  	_ =	shalt  }
0x53: {  	_ =	shalt  }
0x54: {  	_ =	shalt  }
0x55: {  	_ =	shalt  }
0x56: {  	_ =	shalt  }
0x57: {  	_ =	shalt  }
0x58: {  	_ =	shalt  }
0x59: {  	_ =	shalt  }
0x5a: {  	_ =	shalt  }
0x5b: {  	_ =	shalt  }
0x5c: {  	_ =	shalt  }
0x5d: {  	_ =	shalt  }
0x5e: {  	_ =	shalt  }
0x5f: {  	_ =	shalt  }
0x60: {  	_ =	shalt  }
0x61: {  	_ =	shalt  }
0x62: {  	_ =	shalt  }
0x63: {  	_ =	shalt  }
0x64: {  	_ =	shalt  }
0x65: {  	_ =	shalt  }
0x66: {  	_ =	shalt  }
0x67: {  	_ =	shalt  }
0x68: {  	_ =	shalt  }
0x69: {  	_ =	shalt  }
0x6a: {  	_ =	shalt  }
0x6b: {  	_ =	shalt  }
0x6c: {  	_ =	shalt  }
0x6d: {  	_ =	shalt  }
0x6e: {  	_ =	shalt  }
0x6f: {  	_ =	shalt  }
0x70: {  	_ =	shalt  }
0x71: {  	_ =	shalt  }
0x72: {  	_ =	shalt  }
0x73: {  	_ =	shalt  }
0x74: {  	_ =	shalt  }
0x75: {  	_ =	shalt  }
0x76: {  	_ =	shalt  }
0x77: {  	_ =	shalt  }
0x78: {  	_ =	shalt  }
0x79: {  	_ =	shalt  }
0x7a: {  	_ =	shalt  }
0x7b: {  	_ =	shalt  }
0x7c: {  	_ =	shalt  }
0x7d: {  	_ =	shalt  }
0x7e: {  	_ =	shalt  }
0x7f: {  	_ =	shalt  }
0x80: {  	_ =	shalt  }
0x81: {  	_ =	shalt  }
0x82: {  	_ =	shalt  }
0x83: {  	_ =	shalt  }
0x84: {  	_ =	shalt  }
0x85: {  	_ =	shalt  }
0x86: {  	_ =	shalt  }
0x87: {  	_ =	shalt  }
.Lfunc_end0:
.L_simem_size_0:
called_computation.2_lowered:
.L_overlay_start_0:
0x88: {  	s2 =	sld [smem:$0x3FD9]  }
0x89: {  	s3 =	sld [smem:$0x3FFE];
	_ =	sdelay $0x1  }
0x8a: {  	s1 =	srdreg.scid  }
0x8b: {  	s0 =	sand.u32 $0x1, s1  }
0x8c: {  	s17 =	sshll.u32 s0, $0xA;
	s2 =	sadd.s32 s3, s2  }
0x8d: {  	s2 =	sadd.s32 s2, s17  }
0x8e: {  	[smem:$0x3FC3] =	sst s2  }
0x8f: {  	_ = 	snop  }
0x90: {  	s2 =	sld [smem:$0x3FC7];
	(tm) =	ssettm $0x1  }
0x91: {  	s18 =	sld [smem:$0x3FFB];
	_ =	sdelay $0x3  }
0x92: {  	_ =	strace s18  }
0x93: {  	s3 =	sld [smem:$0x3FFC];
	_ =	sdelay $0x3  }
0x94: {  	_ =	strace s3  }
0x95: {  	s3 =	sld [smem:$0x3FFD];
	_ =	sdelay $0x3  }
0x96: {  	_ =	strace s3  }
0x97: {  	_ =	strace $0x8FFFFFFF  }
0x98: {  	s19 =	sld [smem:$0x3FDB];
	_ =	sdelay $0x1  }
0x99: {  	s4 =	simm.s32 $_scs_section_size  }
0x9a: {  	s5 =	simm.s32 $_size__tile_overlayer_lowered;
	s6 =	simm.s32 $_tile_overlayer_lowered  }
0x9b: {  	s22 =	simm.s32 $0x1BFF;
	s21 =	sshll.u32 s6, $0x1;
	s3 =	sadd.s32 s4, s19  }
0x9c: {  	s7 =	simm.s32 $0x0;
	s20 =	sshll.u32 s5, $0x1;
	s5 =	sadd.s32 s21, s3  }
0x9d: {  	[timem:s7], [sflag:s22] =	dma.local [hbm:s5], s20  }
0x9e: {  	_ =	swait.ge [sflag:s22], s20  }
0x9f: {  	s4 =	ssub.s32 $0x0, s20;
	[sflag:s22] =	ssyncset.done $0x0  }
0xa0: {  	[sflag:s22] =	ssyncadd.s32 s4;
	_ =	sdelay $0x1  }
0xa1: {  	s23 =	simm.s32 $0x1B8B  }
0xa2: {  	_ =	swait.ge [sflag:s23], $0x1  }
0xa3: {  	[sflag:s23] =	ssyncset.done $0x0  }
0xa4: {  	s25 =	simm.s32 $0x1B8E;
	s24 =	sld [smem:$0x3FFE];
	[sflag:s23] =	ssyncadd.s32 $0xFFFFFFFF  }
0xa5: {  	s26 =	simm.s32 $execute0_lowered;
	[smem:$0x3FD2] =	sst s25  }
0xa6: {  	s5 =	sshll.u32 s26, $0x1;
	_ =	strace $0x80000046;
	[dreg:$0x1] =	wrdreg $0xFFFFFFFF  }
0xa7: {  	s28 =	simm.s32 $_size_execute0_lowered;
	s3 =	sadd.s32 s3, s5;
	[dreg:$0x0] =	wrdreg $0x0  }
0xa8: {  	s5 =	sshll.u32 s28, $0x1;
	[dreg:$0x2] =	wrdreg s3  }
0xa9: {  	[dreg:$0x3] =	wrdreg s5  }
0xaa: {  	[dreg:$0x4] =	wrdreg $0xC0  }
0xab: {  	_ =	task [dreg:s7], $0x5FFFF  }
0xac: {  	[dreg:$0x1] =	wrdreg $0xFFFFFFFF  }
0xad: {  	[dreg:$0x0] =	wrdreg $0x60  }
0xae: {  	[dreg:$0x2] =	wrdreg s2  }
0xaf: {  	[dreg:$0x3] =	wrdreg s24  }
0xb0: {  	[dreg:$0x4] =	wrdreg $0xA  }
0xb1: {  	_ =	task.clear_ibuf [dreg:s7], $0x5FFFF;
	_ =	strace $0x90000046  }
0xb2: {  	s29 =	simm.s32 $0xA;
	_ =	strace $0x80000048  }
0xb3: {  	_ =	swait.ge [sflag:s29], $0x1  }
0xb4: {  	[sflag:s29] =	ssyncadd.s32 $0xFFFFFFFF  }
0xb5: {  	_ =	strace $0x90000048  }
0xb6: {  	_ =	sfence  }
0xb7: {  	s30 =	sld [smem:$0x0];
	_ =	sdelay $0x2  }
0xb8: {  	s31 =	sshll.u32 s1, $0xD;
	s1 =	sshrl.u32 s1, $0x2  }
0xb9: {  	s3 =	sand.u32 $0x4000, s31;
	s1 =	sadd.s32 s1, s30  }
0xba: {  	s0 =	sor.u32 s3, s0;
	s1 =	sshll.u32 s1, $0x11  }
0xbb: {  	s0 =	sor.u32 s1, s0  }
0xbc: {  	s0 =	sadd.s32 $0x8F2B, s0  }
0xbd: {  	[sflag:s0] =	ssyncadd.remote.s32 $0x1  }
0xbe: {  	_ =	sfence.sel $0xFFFF  }
0xbf: {  	[dreg:$0x0] =	wrdreg $0xFFFFFFFF;
	(pc) =	sbr.abs _section_cstart, $3  }
0xc0: {  	[dreg:$0x1] =	wrdreg $0xFFFFFFFF  }
0xc1: {  	_ =	task.clear_ibuf [dreg:s7], $0x2FFFF;
	_ =	strace $0x9FFFFFFF  }
0xc2: {  	(tm) =	ssettm $0x7FFFFFFF  }
0xc3: {  	_ =	shalt  }
tec
execute0_lowered:
.L_overlay_start_1:
0x0: {  	(tag) =	ssettag $0x1  }
0x1: {  	s1 =	srdreg.scid;
	s2 =	rddreg [dreg:$0x0]  }
0x2: {  	s0 =	stileid.u32;
	s5 =	rddreg [dreg:$0x1];
	s6 =	simm.s32 $0x1  }
0x3: {  	s9 =	simm.s32 $0x1;
	s10 =	simm.s32 $0x3;
	s1 =	sshll.u32 s1, $0x8  }
0x4: {  	s13 =	simm.s32 $0x0;
	s3 =	sshll.u32 s0, $0x9;
	s4 =	sand.u32 $0x100, s1  }
0x5: {  	s12 =	simm.s32 $0x0;
	s1 =	rddreg [dreg:$0x2];
	s3 =	sor.u32 s3, s4  }
0x6: {  	_ =	strace $0x80000047;
	s4 =	sadd.s32 $0x800, s5;
	s8 =	ssub.s32 $0x4000, s3  }
.Ltmp0:
0x7: {  	s5 =	sadd.s32 $0x1800, s5;
	s7 =	sand.u32 $0x1F00, s8;
	(pc) =	sbr.rel .LBB2_1-.Ltmp0, $4  }
0x8: {  	[sflag:s6] =	ssyncpa.u1 $0x0;
	s11 =	smov.u32 s3;
	p0 =	sne.s32 s7, $0x0  }
0x9: {  	s8 =	sshrl.u32 s8, $0xD;
	s7 =	simm.s32 $0x2;
	s9 =	simm.s32 @!p0 $0x0  }
0xa: {  	[sflag:s7] =	ssyncpa.u1 $0x0;
	p0 =	por $0x0, $0x0;
	s8 =	sadd.s32 s9, s8  }
0xb: {  	vm0 =	vmmov $0xffff;
	[sflag:s10] =	ssyncpa.u1 $0x0;
	s10 =	simm.s32 $0x0;
	s9 =	sadd.s32 $0x1, s8  }
.LBB2_4:
0xc: {  	v2 =	vnsel vm1, $0x0, v2  }
0xd: {  	vm1 =	vgt.s32 v0, $0x0;
	v2 =	vmin.u32 v2, $0x3FFF  }
0xe: {  	v0 =	vnsel vm1, $0x0, v0  }
0xf: {  	v0 =	vmin.u32 v0, $0x3FFF  }
0x10: {  	[tilespmem:s15], [sflag:$0x1] =	stream.indirect_vreg.gather [hbm4b:s2+s10], $0x1, v1, vm0, $0x4038;
	[tilespmem:$0x400] =	vst v63  }
0x11: {  	(ifvalue) =	ssetifvalue $0x7FFFFFFF  }
0x12: {  	[tilespmem:s16], [sflag:$0x1] =	stream.indirect_vreg.gather [hbm4b:s2+s10], $0x1, v2, vm0, $0x4038;
	[tilespmem:$0x400] =	vst v63  }
0x13: {  	s29 =	sadd.s32 $0x10, s16;
	(ifvalue) =	ssetifvalue $0x7FFFFFFF  }
0x14: {  	[tilespmem:s29], [sflag:$0x1] =	stream.indirect_vreg.gather [hbm4b:s2+s10], $0x1, v0, vm0, $0x4038;
	[tilespmem:$0x400] =	vst v63  }
0x15: {  	_ =	swait.ge [sflag:s6], $0x100  }
0x16: {  	s30 =	sshrl.u32 s13, $0x3;
	[sflag:s6] =	ssyncset.done $0x0  }
0x17: {  	s31 =	sand.u32 $0x7, s13;
	s15 =	sadd.s32 s5, s30;
	[sflag:s6] =	ssyncadd.s32 $0xFFFFFF00  }
0x18: {  	[hbm4b:s15+s31] =	stream.linear.scatter [tilespmem:s14], [sflag:$0x3], $0x100, $0x38;
	[tilespmem:$0x400] =	vst v63  }
.LBB2_5:
0x19: {  	s15 =	sadd.s32 $0x2000, s11  }
0x1a: {  	p2 =	sgt.s32 s15, $0x3FFF  }
0x1b: {  	s15 =	smov.u32 @p2 s3;
	p2 =	sne.s32 s12, s9  }
.Ltmp1:
0x1c: {  	p1 =	slt.u32 s12, $0x2;
	(pc) =	sbr.rel @!p2 .LBB2_6-.Ltmp1, $4  }
0x1d: {  	s14 =	simm.s32 @!p1 $0x3  }
0x1e: {  	s16 =	sadd.s32 $0x1, s12;
	_ =	swait.ge @!p1 [sflag:s14], $0x100  }
0x1f: {  	s13 =	smov.u32 s11;
	p0 =	por !p0, !p0;
	[sflag:s14] =	ssyncset.done @!p1 $0x0  }
0x20: {  	s12 =	smov.u32 s16;
	s11 =	smov.u32 s15;
	[sflag:s14] =	ssyncadd.s32 @!p1 $0xFFFFFF00  }
.LBB2_1:
0x21: {  	p1 =	sge.u32 s12, s8  }
0x22: {  	s14 =	sxor.u32 @!p1 $0xFFFFFFFF, s12  }
0x23: {  	s31 =	sadd.s32 $0xFFFFFFFF, s12;
	s15 =	sshrl.u32 @!p1 s11, $0x3;
	s14 =	sshll.u32 @!p1 s14, $0x8  }
0x24: {  	s16 =	sand.u32 @!p1 $0x7, s11;
	s15 =	sadd.s32 @!p1 s4, s15;
	s14 =	sand.u32 @!p1 $0x100, s14  }
0x25: {  	[tilespmem:s14], [sflag:$0x2] =	stream.linear.gather @!p1 [hbm4b:s15+s16], $0x100, $0x38;
	[tilespmem:$0x400] =	vst v63  }
0x26: {  	p1 =	sge.u32 s31, s8  }
.Ltmp2:
0x27: {  	_ = 	snop;
	(pc) =	sbr.rel @p1 .LBB2_5-.Ltmp2, $1  }
0x28: {  	_ =	sdelay $0x3  }
0x29: {  	s14 =	simm.s32 $0x1  }
0x2a: {  	_ =	swait.ge [sflag:s7], $0x100;
	s14 =	simm.s32 @!p0 $0x0  }
0x2b: {  	[sflag:s7] =	ssyncset.done $0x0;
	s14 =	sshll.u32 s14, $0x8  }
0x2c: {  	[sflag:s7] =	ssyncadd.s32 $0xFFFFFF00;
	(ifvalue) =	ssetifvalue $0x7FFFFFFF;
	v0 =	vld.msk [tilespmem:s14+$0x0 ss:$0x1], $0xffff;
	_ =	sdelay $0x4  }
0x2d: {  	s15 =	sadd.s32 $0x10, s14;
	vm1 =	vgt.s32 v0, $0x0  }
0x2e: {  	v2 =	vld.msk [tilespmem:s15+$0x0 ss:$0x1], $0xffff;
	v1 =	vnsel vm1, $0x0, v0  }
0x2f: {  	v1 =	vmin.u32 v1, $0x3FFF;
	_ =	sdelay $0x1  }
0x30: {  	s16 =	sshll.u32 s12, $0x8;
	s18 =	simm.s32 $0x20  }
0x31: {  	s16 =	sand.u32 $0x100, s16;
	s17 =	sadd.s32 $0x10, s15;
	s15 =	sor.u32 $0x200, s14  }
0x32: {  	s14 =	sor.u32 $0x200, s16;
	s16 =	sadd.s32 $0x10, s15;
	v0 =	vld.msk [tilespmem:s17+$0x0 ss:$0x1], $0xffff;
	vm1 =	vgt.s32 v2, $0x0;
	(ifvalue) =	ssetifvalue $0x7FFFFFFF  }
.LBB2_3:
0x33: {  	[tilespmem:s15], [sflag:$0x1] =	stream.indirect_vreg.gather [hbm4b:s2+s10], $0x1, v1, vm0, $0x4038;
	[tilespmem:$0x400] =	vst v63  }
0x34: {  	s18 =	sadd.s32 $0x10, s18  }
0x35: {  	v2 =	vnsel vm1, $0x0, v2;
	p1 =	slt.u32 s18, $0xF0  }
.Ltmp3:
0x36: {  	s15 =	smov.u32 s16;
	v1 =	vmin.u32 v2, $0x3FFF;
	(pc) =	sbr.rel @p1 .LBB2_3-.Ltmp3, $3  }
0x37: {  	_ =	sdelay $0x1  }
0x38: {  	s17 =	sadd.s32 $0x10, s17  }
0x39: {  	vm1 =	vgt.s32 v0, $0x0;
	s16 =	sadd.s32 $0x10, s16;
	v2 =	vmov v0;
	(ifvalue) =	ssetifvalue $0x7FFFFFFF;
	v0 =	vld.msk [tilespmem:s17+$0x0 ss:$0x1], $0xffff  }
.Ltmp4:
0x3a: {  	_ = 	snop;
	(pc) =	sbr.rel .LBB2_4-.Ltmp4, $1  }
0x3b: {  	_ =	sdelay $0x3  }
.LBB2_6:
0x3c: {  	_ =	sfence.sel $0x180000  }
0x3d: {  	s2 =	simm.s32 $0x2;
	[bflag:$0x0] =	sbarrier.arrive $0xFFFF  }
0x3e: {  	s30 =	simm.s32 $0x3;
	[sflag:s2] =	ssyncpa.u1 $0x1  }
0x3f: {  	s31 =	simm.s32 $0x1;
	[sflag:s30] =	ssyncpa.u1 $0x1  }
0x40: {  	[sflag:s31] =	ssyncpa.u1 $0x1  }
0x41: {  	p0 =	sne.s32 s0, $0x0;
	_ =	strace $0x90000047  }
0x42: {  	s0 =	sadd.s32 @!p0 $0x100000, s1;
	[bflag:$0x2] =	sbarrier.arrive $0xFFFF  }
0x43: {  	[sflag:s0] =	ssyncadd.tile.s32 @!p0 $0x1;
	_ =	shalt  }
.Lfunc_end2:
_tile_overlayer_lowered:
.L_overlay_start_2:
0x44: {  	(tag) =	ssettag $0x2  }
0x45: {  	s0 =	rddreg [dreg:$0x0];
	s2 =	stileid.u32  }
0x46: {  	s1 =	rddreg [dreg:$0x1];
	p0 =	sne.s32 s2, $0x0  }
0x47: {  	s3 =	rddreg [dreg:$0x2];
	[bflag:$0x3] =	sbarrier.arrive $0xFFFF;
	s2 =	simm.s32 @!p0 $0x1C01  }
0x48: {  	[timem:s3], [sflag:s2] =	dma.local @!p0 [hbm:s0], s1  }
0x49: {  	s0 =	simm.s32 @!p0 $0x1  }
0x4a: {  	_ =	swait.ge @!p0 [sflag:s0], s1  }
0x4b: {  	s1 =	ssub.s32 @!p0 $0x0, s1;
	[sflag:s0] =	ssyncset.done @!p0 $0x0  }
0x4c: {  	[sflag:s0] =	ssyncadd.s32 @!p0 s1  }
0x4d: {  	[bflag:$0x3] =	sbarrier.arrive $0xFFFF  }
0x4e: {  	_ =	shalt  }

// kernel: gather_offload_async_start
scs
__scs_entry_jumppad:
0x0: {  	(pc) =	sbr.rel $0x88, $3  }
0x1: {  	(tag) =	ssettag $0x0;
	lr =	simm.s32 $0x1  }
0x2: {  	[smem:$0x3F9C] =	sst lr;
	_ =	strace $0xD0000000  }
0x3: {  	_ = 	snop  }
0x4: {  	_ = 	snop  }
0x5: {  	_ = 	snop  }
0x6: {  	_ = 	snop  }
0x7: {  	_ = 	snop  }
__scs_overlays_trampoline_lowered:
0x8: {  	[smem:$0x3FAB] =	sst s0  }
0x9: {  	[smem:$0x3FAC] =	sst s1  }
0xa: {  	[smem:$0x3FAD] =	sst s2  }
0xb: {  	[smem:$0x3FAE] =	sst s3  }
0xc: {  	[smem:$0x3FAF] =	sst s4  }
0xd: {  	[smem:$0x3FB0] =	sst s5  }
0xe: {  	[smem:$0x3FB1] =	sst s6  }
0xf: {  	[smem:$0x3FB2] =	sst s7  }
0x10: {  	[smem:$0x3FB3] =	sst s8  }
0x11: {  	[smem:$0x3FB4] =	sst s9;
	s0 =	simm.s32 @!p0 $0x0  }
0x12: {  	s1 =	sld [smem:$0x3F9A];
	s0 =	simm.s32 @p0 $0x1  }
0x13: {  	[smem:$0x3FB5] =	sst s0;
	s0 =	simm.s32 @!p1 $0x0  }
0x14: {  	s2 =	sld [smem:$0x3F99];
	s0 =	simm.s32 @p1 $0x1  }
0x15: {  	[smem:$0x3FB6] =	sst s0;
	s0 =	simm.s32 @!p2 $0x0  }
0x16: {  	s3 =	sld [smem:$0x3FDB];
	s0 =	simm.s32 @p2 $0x1  }
0x17: {  	s4 =	simm.s32 $0x1BF5;
	[smem:$0x3FB8] =	sst s0  }
0x18: {  	s0 =	sld [smem:$0x3F9B];
	_ =	swait.ge [sflag:s4], $0x0  }
0x19: {  	s7 =	sld [smem:$0x3F9C]  }
0x1a: {  	s8 =	sadd.s32 $0xFFFFE003, lr  }
0x1b: {  	s9 =	sadd.s32 $0xFFFFFEF7, lr;
	s5 =	simm.s32 $0xFFFFFFFF;
	p2 =	slt.u32 s8, $0xFFFFF086  }
0x1c: {  	p1 =	slt.u32 s9, $0xF7A;
	s5 =	simm.s32 @!p2 $0x0  }
0x1d: {  	s5 =	simm.s32 @p1 $0x1;
	p0 =	seq.s32 s7, s2  }
0x1e: {  	s7 =	smul.u32 @!p0 $0xF7A, s2;
	p2 =	seq.s32 @!p0 s5, $0x0  }
0x1f: {  	s9 =	smul.u32 $0xF7A, s1;
	s8 =	simm.s32 @!p0 $0x1BF5;
	p2 =	por !p2, p0  }
0x20: {  	[sflag:s8] =	ssyncset.s32 @!p0 $0xFFFFF086;
	s6 =	sadd.s32 @!p0 s3, s7;
	s7 =	simm.s32 @!p0 $0x108  }
0x21: {  	s3 =	sadd.s32 s3, s9;
	s6 =	sadd.s32 @!p0 $0x88, s6;
	s7 =	simm.s32 @p2 $0x1082  }
0x22: {  	[simem:s7], [sflag:s8] =	dma.local @!p0 [hbm:s6], $0xF7A  }
0x23: {  	s9 =	sor.u32 $0xD0000000, s2;
	s6 =	simm.s32 $0x108;
	_ =	swait.ge @!p0 [sflag:s8], $0x0  }
0x24: {  	s3 =	sadd.s32 $0x88, s3;
	s6 =	simm.s32 @!p1 $0x1082;
	[sflag:s4] =	ssyncset.s32 $0xFFFFF086  }
0x25: {  	[simem:s6], [sflag:s4] =	dma.local [hbm:s3], $0xF7A  }
0x26: {  	[smem:$0x3F9C] =	sst s1;
	(tag) =	ssettag s2;
	_ =	strace s9  }
0x27: {  	s1 =	sld [smem:$0x3FAC]  }
0x28: {  	s2 =	sld [smem:$0x3FAD]  }
0x29: {  	s4 =	sld [smem:$0x3FAF]  }
0x2a: {  	p0 =	seq.s32 s5, $0x0;
	s5 =	sld [smem:$0x3FB0]  }
0x2b: {  	s6 =	sld [smem:$0x3FB1]  }
0x2c: {  	s7 =	sld [smem:$0x3FB2]  }
0x2d: {  	s3 =	simm.s32 $0x108;
	s8 =	sld [smem:$0x3FB3]  }
0x2e: {  	s3 =	simm.s32 @!p0 $0x1082;
	s9 =	sld [smem:$0x3FB4]  }
0x2f: {  	lr =	sadd.s32 s0, s3;
	s0 =	sld [smem:$0x3FAB]  }
0x30: {  	s3 =	sld [smem:$0x3FAE]  }
0x31: {  	[smem:$0x3FB7] =	sst s10  }
0x32: {  	s10 =	sld [smem:$0x3FB5];
	_ =	sdelay $0x3  }
0x33: {  	p0 =	seq.s32 s10, $0x1;
	s10 =	sld [smem:$0x3FB7];
	_ =	sdelay $0x3  }
0x34: {  	[smem:$0x3FB7] =	sst s10  }
0x35: {  	s10 =	sld [smem:$0x3FB6];
	_ =	sdelay $0x3  }
0x36: {  	p1 =	seq.s32 s10, $0x1;
	s10 =	sld [smem:$0x3FB7];
	_ =	sdelay $0x3  }
0x37: {  	[smem:$0x3FB7] =	sst s10  }
0x38: {  	s10 =	sld [smem:$0x3FB8]  }
0x39: {  	_ = 	snop;
	(pc) =	sbr.ind lr, $3  }
0x3a: {  	_ = 	snop  }
0x3b: {  	_ = 	snop  }
0x3c: {  	p2 =	seq.s32 s10, $0x1;
	s10 =	sld [smem:$0x3FB7]  }
0x3d: {  	_ =	shalt  }
0x3e: {  	_ =	shalt  }
0x3f: {  	_ =	shalt  }
0x40: {  	_ =	shalt  }
0x41: {  	_ =	shalt  }
0x42: {  	_ =	shalt  }
0x43: {  	_ =	shalt  }
0x44: {  	_ =	shalt  }
0x45: {  	_ =	shalt  }
0x46: {  	_ =	shalt  }
0x47: {  	_ =	shalt  }
0x48: {  	_ =	shalt  }
0x49: {  	_ =	shalt  }
0x4a: {  	_ =	shalt  }
0x4b: {  	_ =	shalt  }
0x4c: {  	_ =	shalt  }
0x4d: {  	_ =	shalt  }
0x4e: {  	_ =	shalt  }
0x4f: {  	_ =	shalt  }
0x50: {  	_ =	shalt  }
0x51: {  	_ =	shalt  }
0x52: {  	_ =	shalt  }
0x53: {  	_ =	shalt  }
0x54: {  	_ =	shalt  }
0x55: {  	_ =	shalt  }
0x56: {  	_ =	shalt  }
0x57: {  	_ =	shalt  }
0x58: {  	_ =	shalt  }
0x59: {  	_ =	shalt  }
0x5a: {  	_ =	shalt  }
0x5b: {  	_ =	shalt  }
0x5c: {  	_ =	shalt  }
0x5d: {  	_ =	shalt  }
0x5e: {  	_ =	shalt  }
0x5f: {  	_ =	shalt  }
0x60: {  	_ =	shalt  }
0x61: {  	_ =	shalt  }
0x62: {  	_ =	shalt  }
0x63: {  	_ =	shalt  }
0x64: {  	_ =	shalt  }
0x65: {  	_ =	shalt  }
0x66: {  	_ =	shalt  }
0x67: {  	_ =	shalt  }
0x68: {  	_ =	shalt  }
0x69: {  	_ =	shalt  }
0x6a: {  	_ =	shalt  }
0x6b: {  	_ =	shalt  }
0x6c: {  	_ =	shalt  }
0x6d: {  	_ =	shalt  }
0x6e: {  	_ =	shalt  }
0x6f: {  	_ =	shalt  }
0x70: {  	_ =	shalt  }
0x71: {  	_ =	shalt  }
0x72: {  	_ =	shalt  }
0x73: {  	_ =	shalt  }
0x74: {  	_ =	shalt  }
0x75: {  	_ =	shalt  }
0x76: {  	_ =	shalt  }
0x77: {  	_ =	shalt  }
0x78: {  	_ =	shalt  }
0x79: {  	_ =	shalt  }
0x7a: {  	_ =	shalt  }
0x7b: {  	_ =	shalt  }
0x7c: {  	_ =	shalt  }
0x7d: {  	_ =	shalt  }
0x7e: {  	_ =	shalt  }
0x7f: {  	_ =	shalt  }
0x80: {  	_ =	shalt  }
0x81: {  	_ =	shalt  }
0x82: {  	_ =	shalt  }
0x83: {  	_ =	shalt  }
0x84: {  	_ =	shalt  }
0x85: {  	_ =	shalt  }
0x86: {  	_ =	shalt  }
0x87: {  	_ =	shalt  }
.Lfunc_end0:
.L_simem_size_0:
called_computation_lowered:
.L_overlay_start_0:
0x88: {  	s2 =	sld [smem:$0x3FD9]  }
0x89: {  	s3 =	sld [smem:$0x3FFE];
	_ =	sdelay $0x1  }
0x8a: {  	s1 =	srdreg.scid  }
0x8b: {  	s0 =	sand.u32 $0x1, s1  }
0x8c: {  	s17 =	sshll.u32 s0, $0xA;
	s2 =	sadd.s32 s3, s2  }
0x8d: {  	s2 =	sadd.s32 s2, s17  }
0x8e: {  	[smem:$0x3FC3] =	sst s2  }
0x8f: {  	_ = 	snop  }
0x90: {  	s2 =	sld [smem:$0x3FD0];
	(tm) =	ssettm $0x1  }
0x91: {  	s18 =	sld [smem:$0x3FFB];
	_ =	sdelay $0x3  }
0x92: {  	_ =	strace s18  }
0x93: {  	s3 =	sld [smem:$0x3FFC];
	_ =	sdelay $0x3  }
0x94: {  	_ =	strace s3  }
0x95: {  	s3 =	sld [smem:$0x3FFD];
	_ =	sdelay $0x3  }
0x96: {  	_ =	strace s3  }
0x97: {  	_ =	strace $0x8FFFFFFF  }
0x98: {  	s19 =	sld [smem:$0x3FDB];
	_ =	sdelay $0x1  }
0x99: {  	s4 =	simm.s32 $_scs_section_size  }
0x9a: {  	s5 =	simm.s32 $_size__tile_overlayer_lowered;
	s6 =	simm.s32 $_tile_overlayer_lowered  }
0x9b: {  	s22 =	simm.s32 $0x1BFF;
	s21 =	sshll.u32 s6, $0x1;
	s3 =	sadd.s32 s4, s19  }
0x9c: {  	s7 =	simm.s32 $0x0;
	s20 =	sshll.u32 s5, $0x1;
	s5 =	sadd.s32 s21, s3  }
0x9d: {  	[timem:s7], [sflag:s22] =	dma.local [hbm:s5], s20  }
0x9e: {  	_ =	swait.ge [sflag:s22], s20  }
0x9f: {  	s4 =	ssub.s32 $0x0, s20;
	[sflag:s22] =	ssyncset.done $0x0  }
0xa0: {  	[sflag:s22] =	ssyncadd.s32 s4;
	_ =	sdelay $0x1  }
0xa1: {  	s23 =	simm.s32 $0x1B8B  }
0xa2: {  	_ =	swait.ge [sflag:s23], $0x1  }
0xa3: {  	[sflag:s23] =	ssyncset.done $0x0  }
0xa4: {  	s25 =	simm.s32 $0x1B8E;
	s24 =	sld [smem:$0x3FFE];
	[sflag:s23] =	ssyncadd.s32 $0xFFFFFFFF  }
0xa5: {  	s26 =	simm.s32 $execute0_lowered;
	[smem:$0x3FD2] =	sst s25  }
0xa6: {  	s5 =	sshll.u32 s26, $0x1;
	_ =	strace $0x8000004F;
	[dreg:$0x1] =	wrdreg $0xFFFFFFFF  }
0xa7: {  	s28 =	simm.s32 $_size_execute0_lowered;
	s3 =	sadd.s32 s3, s5;
	[dreg:$0x0] =	wrdreg $0x0  }
0xa8: {  	s5 =	sshll.u32 s28, $0x1;
	[dreg:$0x2] =	wrdreg s3  }
0xa9: {  	[dreg:$0x3] =	wrdreg s5  }
0xaa: {  	[dreg:$0x4] =	wrdreg $0xC0  }
0xab: {  	_ =	task [dreg:s7], $0x5FFFF  }
0xac: {  	[dreg:$0x1] =	wrdreg $0xFFFFFFFF  }
0xad: {  	[dreg:$0x0] =	wrdreg $0x60  }
0xae: {  	[dreg:$0x2] =	wrdreg s2  }
0xaf: {  	[dreg:$0x3] =	wrdreg s24  }
0xb0: {  	[dreg:$0x4] =	wrdreg $0x9  }
0xb1: {  	_ =	task.clear_ibuf [dreg:s7], $0x5FFFF;
	_ =	strace $0x9000004F  }
0xb2: {  	s29 =	simm.s32 $0x9;
	_ =	strace $0x80000051  }
0xb3: {  	_ =	swait.ge [sflag:s29], $0x1  }
0xb4: {  	[sflag:s29] =	ssyncadd.s32 $0xFFFFFFFF  }
0xb5: {  	_ =	strace $0x90000051  }
0xb6: {  	_ =	sfence  }
0xb7: {  	s30 =	sld [smem:$0x0];
	_ =	sdelay $0x2  }
0xb8: {  	s31 =	sshll.u32 s1, $0xD;
	s1 =	sshrl.u32 s1, $0x2  }
0xb9: {  	s3 =	sand.u32 $0x4000, s31;
	s1 =	sadd.s32 s1, s30  }
0xba: {  	s0 =	sor.u32 s3, s0;
	s1 =	sshll.u32 s1, $0x11  }
0xbb: {  	s0 =	sor.u32 s1, s0  }
0xbc: {  	s0 =	sadd.s32 $0x8F2B, s0  }
0xbd: {  	[sflag:s0] =	ssyncadd.remote.s32 $0x1  }
0xbe: {  	_ =	sfence.sel $0xFFFF  }
0xbf: {  	[dreg:$0x0] =	wrdreg $0xFFFFFFFF;
	(pc) =	sbr.abs _section_cstart, $3  }
0xc0: {  	[dreg:$0x1] =	wrdreg $0xFFFFFFFF  }
0xc1: {  	_ =	task.clear_ibuf [dreg:s7], $0x2FFFF;
	_ =	strace $0x9FFFFFFF  }
0xc2: {  	(tm) =	ssettm $0x7FFFFFFF  }
0xc3: {  	_ =	shalt  }
tec
execute0_lowered:
.L_overlay_start_1:
0x0: {  	(tag) =	ssettag $0x1  }
0x1: {  	s1 =	srdreg.scid;
	s2 =	rddreg [dreg:$0x0]  }
0x2: {  	s0 =	stileid.u32;
	s5 =	rddreg [dreg:$0x1];
	s6 =	simm.s32 $0x1  }
0x3: {  	s9 =	simm.s32 $0x1;
	s10 =	simm.s32 $0x3;
	s1 =	sshll.u32 s1, $0x8  }
0x4: {  	s13 =	simm.s32 $0x0;
	s3 =	sshll.u32 s0, $0x9;
	s4 =	sand.u32 $0x100, s1  }
0x5: {  	s12 =	simm.s32 $0x0;
	s1 =	rddreg [dreg:$0x2];
	s3 =	sor.u32 s3, s4  }
0x6: {  	_ =	strace $0x80000050;
	s4 =	sadd.s32 $0x1000, s5;
	s8 =	ssub.s32 $0x4000, s3  }
.Ltmp0:
0x7: {  	s5 =	sadd.s32 $0x800, s5;
	s7 =	sand.u32 $0x1F00, s8;
	(pc) =	sbr.rel .LBB2_1-.Ltmp0, $4  }
0x8: {  	[sflag:s6] =	ssyncpa.u1 $0x0;
	s11 =	smov.u32 s3;
	p0 =	sne.s32 s7, $0x0  }
0x9: {  	s8 =	sshrl.u32 s8, $0xD;
	s7 =	simm.s32 $0x2;
	s9 =	simm.s32 @!p0 $0x0  }
0xa: {  	[sflag:s7] =	ssyncpa.u1 $0x0;
	p0 =	por $0x0, $0x0;
	s8 =	sadd.s32 s9, s8  }
0xb: {  	vm0 =	vmmov $0xffff;
	[sflag:s10] =	ssyncpa.u1 $0x0;
	s10 =	simm.s32 $0x0;
	s9 =	sadd.s32 $0x1, s8  }
.LBB2_4:
0xc: {  	v2 =	vnsel vm1, $0x0, v2  }
0xd: {  	vm1 =	vgt.s32 v0, $0x0;
	v2 =	vmin.u32 v2, $0x3FFF  }
0xe: {  	v0 =	vnsel vm1, $0x0, v0  }
0xf: {  	v0 =	vmin.u32 v0, $0x3FFF  }
0x10: {  	[tilespmem:s15], [sflag:$0x1] =	stream.indirect_vreg.gather [hbm4b:s2+s10], $0x1, v1, vm0, $0x4038;
	[tilespmem:$0x400] =	vst v63  }
0x11: {  	(ifvalue) =	ssetifvalue $0x7FFFFFFF  }
0x12: {  	[tilespmem:s16], [sflag:$0x1] =	stream.indirect_vreg.gather [hbm4b:s2+s10], $0x1, v2, vm0, $0x4038;
	[tilespmem:$0x400] =	vst v63  }
0x13: {  	s29 =	sadd.s32 $0x10, s16;
	(ifvalue) =	ssetifvalue $0x7FFFFFFF  }
0x14: {  	[tilespmem:s29], [sflag:$0x1] =	stream.indirect_vreg.gather [hbm4b:s2+s10], $0x1, v0, vm0, $0x4038;
	[tilespmem:$0x400] =	vst v63  }
0x15: {  	_ =	swait.ge [sflag:s6], $0x100  }
0x16: {  	s30 =	sshrl.u32 s13, $0x3;
	[sflag:s6] =	ssyncset.done $0x0  }
0x17: {  	s31 =	sand.u32 $0x7, s13;
	s15 =	sadd.s32 s5, s30;
	[sflag:s6] =	ssyncadd.s32 $0xFFFFFF00  }
0x18: {  	[hbm4b:s15+s31] =	stream.linear.scatter [tilespmem:s14], [sflag:$0x3], $0x100, $0x38;
	[tilespmem:$0x400] =	vst v63  }
.LBB2_5:
0x19: {  	s15 =	sadd.s32 $0x2000, s11  }
0x1a: {  	p2 =	sgt.s32 s15, $0x3FFF  }
0x1b: {  	s15 =	smov.u32 @p2 s3;
	p2 =	sne.s32 s12, s9  }
.Ltmp1:
0x1c: {  	p1 =	slt.u32 s12, $0x2;
	(pc) =	sbr.rel @!p2 .LBB2_6-.Ltmp1, $4  }
0x1d: {  	s14 =	simm.s32 @!p1 $0x3  }
0x1e: {  	s16 =	sadd.s32 $0x1, s12;
	_ =	swait.ge @!p1 [sflag:s14], $0x100  }
0x1f: {  	s13 =	smov.u32 s11;
	p0 =	por !p0, !p0;
	[sflag:s14] =	ssyncset.done @!p1 $0x0  }
0x20: {  	s12 =	smov.u32 s16;
	s11 =	smov.u32 s15;
	[sflag:s14] =	ssyncadd.s32 @!p1 $0xFFFFFF00  }
.LBB2_1:
0x21: {  	p1 =	sge.u32 s12, s8  }
0x22: {  	s14 =	sxor.u32 @!p1 $0xFFFFFFFF, s12  }
0x23: {  	s31 =	sadd.s32 $0xFFFFFFFF, s12;
	s15 =	sshrl.u32 @!p1 s11, $0x3;
	s14 =	sshll.u32 @!p1 s14, $0x8  }
0x24: {  	s16 =	sand.u32 @!p1 $0x7, s11;
	s15 =	sadd.s32 @!p1 s4, s15;
	s14 =	sand.u32 @!p1 $0x100, s14  }
0x25: {  	[tilespmem:s14], [sflag:$0x2] =	stream.linear.gather @!p1 [hbm4b:s15+s16], $0x100, $0x38;
	[tilespmem:$0x400] =	vst v63  }
0x26: {  	p1 =	sge.u32 s31, s8  }
.Ltmp2:
0x27: {  	_ = 	snop;
	(pc) =	sbr.rel @p1 .LBB2_5-.Ltmp2, $1  }
0x28: {  	_ =	sdelay $0x3  }
0x29: {  	s14 =	simm.s32 $0x1  }
0x2a: {  	_ =	swait.ge [sflag:s7], $0x100;
	s14 =	simm.s32 @!p0 $0x0  }
0x2b: {  	[sflag:s7] =	ssyncset.done $0x0;
	s14 =	sshll.u32 s14, $0x8  }
0x2c: {  	[sflag:s7] =	ssyncadd.s32 $0xFFFFFF00;
	(ifvalue) =	ssetifvalue $0x7FFFFFFF;
	v0 =	vld.msk [tilespmem:s14+$0x0 ss:$0x1], $0xffff;
	_ =	sdelay $0x4  }
0x2d: {  	s15 =	sadd.s32 $0x10, s14;
	vm1 =	vgt.s32 v0, $0x0  }
0x2e: {  	v2 =	vld.msk [tilespmem:s15+$0x0 ss:$0x1], $0xffff;
	v1 =	vnsel vm1, $0x0, v0  }
0x2f: {  	v1 =	vmin.u32 v1, $0x3FFF;
	_ =	sdelay $0x1  }
0x30: {  	s16 =	sshll.u32 s12, $0x8;
	s18 =	simm.s32 $0x20  }
0x31: {  	s16 =	sand.u32 $0x100, s16;
	s17 =	sadd.s32 $0x10, s15;
	s15 =	sor.u32 $0x200, s14  }
0x32: {  	s14 =	sor.u32 $0x200, s16;
	s16 =	sadd.s32 $0x10, s15;
	v0 =	vld.msk [tilespmem:s17+$0x0 ss:$0x1], $0xffff;
	vm1 =	vgt.s32 v2, $0x0;
	(ifvalue) =	ssetifvalue $0x7FFFFFFF  }
.LBB2_3:
0x33: {  	[tilespmem:s15], [sflag:$0x1] =	stream.indirect_vreg.gather [hbm4b:s2+s10], $0x1, v1, vm0, $0x4038;
	[tilespmem:$0x400] =	vst v63  }
0x34: {  	s18 =	sadd.s32 $0x10, s18  }
0x35: {  	v2 =	vnsel vm1, $0x0, v2;
	p1 =	slt.u32 s18, $0xF0  }
.Ltmp3:
0x36: {  	s15 =	smov.u32 s16;
	v1 =	vmin.u32 v2, $0x3FFF;
	(pc) =	sbr.rel @p1 .LBB2_3-.Ltmp3, $3  }
0x37: {  	_ =	sdelay $0x1  }
0x38: {  	s17 =	sadd.s32 $0x10, s17  }
0x39: {  	vm1 =	vgt.s32 v0, $0x0;
	s16 =	sadd.s32 $0x10, s16;
	v2 =	vmov v0;
	(ifvalue) =	ssetifvalue $0x7FFFFFFF;
	v0 =	vld.msk [tilespmem:s17+$0x0 ss:$0x1], $0xffff  }
.Ltmp4:
0x3a: {  	_ = 	snop;
	(pc) =	sbr.rel .LBB2_4-.Ltmp4, $1  }
0x3b: {  	_ =	sdelay $0x3  }
.LBB2_6:
0x3c: {  	_ =	sfence.sel $0x180000  }
0x3d: {  	s2 =	simm.s32 $0x2;
	[bflag:$0x0] =	sbarrier.arrive $0xFFFF  }
0x3e: {  	s30 =	simm.s32 $0x3;
	[sflag:s2] =	ssyncpa.u1 $0x1  }
0x3f: {  	s31 =	simm.s32 $0x1;
	[sflag:s30] =	ssyncpa.u1 $0x1  }
0x40: {  	[sflag:s31] =	ssyncpa.u1 $0x1  }
0x41: {  	p0 =	sne.s32 s0, $0x0;
	_ =	strace $0x90000050  }
0x42: {  	s0 =	sadd.s32 @!p0 $0x100000, s1;
	[bflag:$0x2] =	sbarrier.arrive $0xFFFF  }
0x43: {  	[sflag:s0] =	ssyncadd.tile.s32 @!p0 $0x1;
	_ =	shalt  }
.Lfunc_end2:
_tile_overlayer_lowered:
.L_overlay_start_2:
0x44: {  	(tag) =	ssettag $0x2  }
0x45: {  	s0 =	rddreg [dreg:$0x0];
	s2 =	stileid.u32  }
0x46: {  	s1 =	rddreg [dreg:$0x1];
	p0 =	sne.s32 s2, $0x0  }
0x47: {  	s3 =	rddreg [dreg:$0x2];
	[bflag:$0x3] =	sbarrier.arrive $0xFFFF;
	s2 =	simm.s32 @!p0 $0x1C01  }
0x48: {  	[timem:s3], [sflag:s2] =	dma.local @!p0 [hbm:s0], s1  }
0x49: {  	s0 =	simm.s32 @!p0 $0x1  }
0x4a: {  	_ =	swait.ge @!p0 [sflag:s0], s1  }
0x4b: {  	s1 =	ssub.s32 @!p0 $0x0, s1;
	[sflag:s0] =	ssyncset.done @!p0 $0x0  }
0x4c: {  	[sflag:s0] =	ssyncadd.s32 @!p0 s1  }
0x4d: {  	[bflag:$0x3] =	sbarrier.arrive $0xFFFF  }
0x4e: {  	_ =	shalt  }

// kernel: kernel.4.cloned.1.call-start
scs
__scs_entry_jumppad:
0x0: {  	(pc) =	sbr.rel $0x88, $3  }
0x1: {  	(tag) =	ssettag $0x0;
	lr =	simm.s32 $0x1  }
0x2: {  	[smem:$0x3F9C] =	sst lr;
	_ =	strace $0xD0000000  }
0x3: {  	_ = 	snop  }
0x4: {  	_ = 	snop  }
0x5: {  	_ = 	snop  }
0x6: {  	_ = 	snop  }
0x7: {  	_ = 	snop  }
__scs_overlays_trampoline_lowered:
0x8: {  	[smem:$0x3FAB] =	sst s0  }
0x9: {  	[smem:$0x3FAC] =	sst s1  }
0xa: {  	[smem:$0x3FAD] =	sst s2  }
0xb: {  	[smem:$0x3FAE] =	sst s3  }
0xc: {  	[smem:$0x3FAF] =	sst s4  }
0xd: {  	[smem:$0x3FB0] =	sst s5  }
0xe: {  	[smem:$0x3FB1] =	sst s6  }
0xf: {  	[smem:$0x3FB2] =	sst s7  }
0x10: {  	[smem:$0x3FB3] =	sst s8  }
0x11: {  	[smem:$0x3FB4] =	sst s9;
	s0 =	simm.s32 @!p0 $0x0  }
0x12: {  	s1 =	sld [smem:$0x3F9A];
	s0 =	simm.s32 @p0 $0x1  }
0x13: {  	[smem:$0x3FB5] =	sst s0;
	s0 =	simm.s32 @!p1 $0x0  }
0x14: {  	s2 =	sld [smem:$0x3F99];
	s0 =	simm.s32 @p1 $0x1  }
0x15: {  	[smem:$0x3FB6] =	sst s0;
	s0 =	simm.s32 @!p2 $0x0  }
0x16: {  	s3 =	sld [smem:$0x3FDB];
	s0 =	simm.s32 @p2 $0x1  }
0x17: {  	s4 =	simm.s32 $0x1BF5;
	[smem:$0x3FB8] =	sst s0  }
0x18: {  	s0 =	sld [smem:$0x3F9B];
	_ =	swait.ge [sflag:s4], $0x0  }
0x19: {  	s7 =	sld [smem:$0x3F9C]  }
0x1a: {  	s8 =	sadd.s32 $0xFFFFE003, lr  }
0x1b: {  	s9 =	sadd.s32 $0xFFFFFEF7, lr;
	s5 =	simm.s32 $0xFFFFFFFF;
	p2 =	slt.u32 s8, $0xFFFFF086  }
0x1c: {  	p1 =	slt.u32 s9, $0xF7A;
	s5 =	simm.s32 @!p2 $0x0  }
0x1d: {  	s5 =	simm.s32 @p1 $0x1;
	p0 =	seq.s32 s7, s2  }
0x1e: {  	s7 =	smul.u32 @!p0 $0xF7A, s2;
	p2 =	seq.s32 @!p0 s5, $0x0  }
0x1f: {  	s9 =	smul.u32 $0xF7A, s1;
	s8 =	simm.s32 @!p0 $0x1BF5;
	p2 =	por !p2, p0  }
0x20: {  	[sflag:s8] =	ssyncset.s32 @!p0 $0xFFFFF086;
	s6 =	sadd.s32 @!p0 s3, s7;
	s7 =	simm.s32 @!p0 $0x108  }
0x21: {  	s3 =	sadd.s32 s3, s9;
	s6 =	sadd.s32 @!p0 $0x88, s6;
	s7 =	simm.s32 @p2 $0x1082  }
0x22: {  	[simem:s7], [sflag:s8] =	dma.local @!p0 [hbm:s6], $0xF7A  }
0x23: {  	s9 =	sor.u32 $0xD0000000, s2;
	s6 =	simm.s32 $0x108;
	_ =	swait.ge @!p0 [sflag:s8], $0x0  }
0x24: {  	s3 =	sadd.s32 $0x88, s3;
	s6 =	simm.s32 @!p1 $0x1082;
	[sflag:s4] =	ssyncset.s32 $0xFFFFF086  }
0x25: {  	[simem:s6], [sflag:s4] =	dma.local [hbm:s3], $0xF7A  }
0x26: {  	[smem:$0x3F9C] =	sst s1;
	(tag) =	ssettag s2;
	_ =	strace s9  }
0x27: {  	s1 =	sld [smem:$0x3FAC]  }
0x28: {  	s2 =	sld [smem:$0x3FAD]  }
0x29: {  	s4 =	sld [smem:$0x3FAF]  }
0x2a: {  	p0 =	seq.s32 s5, $0x0;
	s5 =	sld [smem:$0x3FB0]  }
0x2b: {  	s6 =	sld [smem:$0x3FB1]  }
0x2c: {  	s7 =	sld [smem:$0x3FB2]  }
0x2d: {  	s3 =	simm.s32 $0x108;
	s8 =	sld [smem:$0x3FB3]  }
0x2e: {  	s3 =	simm.s32 @!p0 $0x1082;
	s9 =	sld [smem:$0x3FB4]  }
0x2f: {  	lr =	sadd.s32 s0, s3;
	s0 =	sld [smem:$0x3FAB]  }
0x30: {  	s3 =	sld [smem:$0x3FAE]  }
0x31: {  	[smem:$0x3FB7] =	sst s10  }
0x32: {  	s10 =	sld [smem:$0x3FB5];
	_ =	sdelay $0x3  }
0x33: {  	p0 =	seq.s32 s10, $0x1;
	s10 =	sld [smem:$0x3FB7];
	_ =	sdelay $0x3  }
0x34: {  	[smem:$0x3FB7] =	sst s10  }
0x35: {  	s10 =	sld [smem:$0x3FB6];
	_ =	sdelay $0x3  }
0x36: {  	p1 =	seq.s32 s10, $0x1;
	s10 =	sld [smem:$0x3FB7];
	_ =	sdelay $0x3  }
0x37: {  	[smem:$0x3FB7] =	sst s10  }
0x38: {  	s10 =	sld [smem:$0x3FB8]  }
0x39: {  	_ = 	snop;
	(pc) =	sbr.ind lr, $3  }
0x3a: {  	_ = 	snop  }
0x3b: {  	_ = 	snop  }
0x3c: {  	p2 =	seq.s32 s10, $0x1;
	s10 =	sld [smem:$0x3FB7]  }
0x3d: {  	_ =	shalt  }
0x3e: {  	_ =	shalt  }
0x3f: {  	_ =	shalt  }
0x40: {  	_ =	shalt  }
0x41: {  	_ =	shalt  }
0x42: {  	_ =	shalt  }
0x43: {  	_ =	shalt  }
0x44: {  	_ =	shalt  }
0x45: {  	_ =	shalt  }
0x46: {  	_ =	shalt  }
0x47: {  	_ =	shalt  }
0x48: {  	_ =	shalt  }
0x49: {  	_ =	shalt  }
0x4a: {  	_ =	shalt  }
0x4b: {  	_ =	shalt  }
0x4c: {  	_ =	shalt  }
0x4d: {  	_ =	shalt  }
0x4e: {  	_ =	shalt  }
0x4f: {  	_ =	shalt  }
0x50: {  	_ =	shalt  }
0x51: {  	_ =	shalt  }
0x52: {  	_ =	shalt  }
0x53: {  	_ =	shalt  }
0x54: {  	_ =	shalt  }
0x55: {  	_ =	shalt  }
0x56: {  	_ =	shalt  }
0x57: {  	_ =	shalt  }
0x58: {  	_ =	shalt  }
0x59: {  	_ =	shalt  }
0x5a: {  	_ =	shalt  }
0x5b: {  	_ =	shalt  }
0x5c: {  	_ =	shalt  }
0x5d: {  	_ =	shalt  }
0x5e: {  	_ =	shalt  }
0x5f: {  	_ =	shalt  }
0x60: {  	_ =	shalt  }
0x61: {  	_ =	shalt  }
0x62: {  	_ =	shalt  }
0x63: {  	_ =	shalt  }
0x64: {  	_ =	shalt  }
0x65: {  	_ =	shalt  }
0x66: {  	_ =	shalt  }
0x67: {  	_ =	shalt  }
0x68: {  	_ =	shalt  }
0x69: {  	_ =	shalt  }
0x6a: {  	_ =	shalt  }
0x6b: {  	_ =	shalt  }
0x6c: {  	_ =	shalt  }
0x6d: {  	_ =	shalt  }
0x6e: {  	_ =	shalt  }
0x6f: {  	_ =	shalt  }
0x70: {  	_ =	shalt  }
0x71: {  	_ =	shalt  }
0x72: {  	_ =	shalt  }
0x73: {  	_ =	shalt  }
0x74: {  	_ =	shalt  }
0x75: {  	_ =	shalt  }
0x76: {  	_ =	shalt  }
0x77: {  	_ =	shalt  }
0x78: {  	_ =	shalt  }
0x79: {  	_ =	shalt  }
0x7a: {  	_ =	shalt  }
0x7b: {  	_ =	shalt  }
0x7c: {  	_ =	shalt  }
0x7d: {  	_ =	shalt  }
0x7e: {  	_ =	shalt  }
0x7f: {  	_ =	shalt  }
0x80: {  	_ =	shalt  }
0x81: {  	_ =	shalt  }
0x82: {  	_ =	shalt  }
0x83: {  	_ =	shalt  }
0x84: {  	_ =	shalt  }
0x85: {  	_ =	shalt  }
0x86: {  	_ =	shalt  }
0x87: {  	_ =	shalt  }
.Lfunc_end0:
.L_simem_size_0:
called_computation.3_lowered:
.L_overlay_start_0:
0x88: {  	s2 =	sld [smem:$0x3FD9]  }
0x89: {  	s3 =	sld [smem:$0x3FFE];
	_ =	sdelay $0x1  }
0x8a: {  	s1 =	srdreg.scid  }
0x8b: {  	s0 =	sand.u32 $0x1, s1  }
0x8c: {  	s17 =	sshll.u32 s0, $0xA;
	s2 =	sadd.s32 s3, s2  }
0x8d: {  	s2 =	sadd.s32 s2, s17  }
0x8e: {  	[smem:$0x3FC3] =	sst s2  }
0x8f: {  	_ = 	snop  }
0x90: {  	s2 =	sld [smem:$0x3FC6];
	(tm) =	ssettm $0x1  }
0x91: {  	s18 =	sld [smem:$0x3FFB];
	_ =	sdelay $0x3  }
0x92: {  	_ =	strace s18  }
0x93: {  	s3 =	sld [smem:$0x3FFC];
	_ =	sdelay $0x3  }
0x94: {  	_ =	strace s3  }
0x95: {  	s3 =	sld [smem:$0x3FFD];
	_ =	sdelay $0x3  }
0x96: {  	_ =	strace s3  }
0x97: {  	_ =	strace $0x8FFFFFFF  }
0x98: {  	s19 =	sld [smem:$0x3FDB];
	_ =	sdelay $0x1  }
0x99: {  	s4 =	simm.s32 $_scs_section_size  }
0x9a: {  	s5 =	simm.s32 $_size__tile_overlayer_lowered;
	s6 =	simm.s32 $_tile_overlayer_lowered  }
0x9b: {  	s22 =	simm.s32 $0x1BFF;
	s21 =	sshll.u32 s6, $0x1;
	s3 =	sadd.s32 s4, s19  }
0x9c: {  	s7 =	simm.s32 $0x0;
	s20 =	sshll.u32 s5, $0x1;
	s5 =	sadd.s32 s21, s3  }
0x9d: {  	[timem:s7], [sflag:s22] =	dma.local [hbm:s5], s20  }
0x9e: {  	_ =	swait.ge [sflag:s22], s20  }
0x9f: {  	s4 =	ssub.s32 $0x0, s20;
	[sflag:s22] =	ssyncset.done $0x0  }
0xa0: {  	[sflag:s22] =	ssyncadd.s32 s4;
	_ =	sdelay $0x1  }
0xa1: {  	s23 =	simm.s32 $0x1B8B  }
0xa2: {  	_ =	swait.ge [sflag:s23], $0x1  }
0xa3: {  	[sflag:s23] =	ssyncset.done $0x0  }
0xa4: {  	s25 =	simm.s32 $0x1B8E;
	s24 =	sld [smem:$0x3FFE];
	[sflag:s23] =	ssyncadd.s32 $0xFFFFFFFF  }
0xa5: {  	s26 =	simm.s32 $execute0_lowered;
	[smem:$0x3FD2] =	sst s25  }
0xa6: {  	s5 =	sshll.u32 s26, $0x1;
	_ =	strace $0x8000004C;
	[dreg:$0x1] =	wrdreg $0xFFFFFFFF  }
0xa7: {  	s28 =	simm.s32 $_size_execute0_lowered;
	s3 =	sadd.s32 s3, s5;
	[dreg:$0x0] =	wrdreg $0x0  }
0xa8: {  	s5 =	sshll.u32 s28, $0x1;
	[dreg:$0x2] =	wrdreg s3  }
0xa9: {  	[dreg:$0x3] =	wrdreg s5  }
0xaa: {  	[dreg:$0x4] =	wrdreg $0xC0  }
0xab: {  	_ =	task [dreg:s7], $0x5FFFF  }
0xac: {  	[dreg:$0x1] =	wrdreg $0xFFFFFFFF  }
0xad: {  	[dreg:$0x0] =	wrdreg $0x60  }
0xae: {  	[dreg:$0x2] =	wrdreg s2  }
0xaf: {  	[dreg:$0x3] =	wrdreg s24  }
0xb0: {  	[dreg:$0x4] =	wrdreg $0x9  }
0xb1: {  	_ =	task.clear_ibuf [dreg:s7], $0x5FFFF;
	_ =	strace $0x9000004C  }
0xb2: {  	s29 =	simm.s32 $0x9;
	_ =	strace $0x8000004E  }
0xb3: {  	_ =	swait.ge [sflag:s29], $0x1  }
0xb4: {  	[sflag:s29] =	ssyncadd.s32 $0xFFFFFFFF  }
0xb5: {  	_ =	strace $0x9000004E  }
0xb6: {  	_ =	sfence  }
0xb7: {  	s30 =	sld [smem:$0x0];
	_ =	sdelay $0x2  }
0xb8: {  	s31 =	sshll.u32 s1, $0xD;
	s1 =	sshrl.u32 s1, $0x2  }
0xb9: {  	s3 =	sand.u32 $0x4000, s31;
	s1 =	sadd.s32 s1, s30  }
0xba: {  	s0 =	sor.u32 s3, s0;
	s1 =	sshll.u32 s1, $0x11  }
0xbb: {  	s0 =	sor.u32 s1, s0  }
0xbc: {  	s0 =	sadd.s32 $0x8F2B, s0  }
0xbd: {  	[sflag:s0] =	ssyncadd.remote.s32 $0x1  }
0xbe: {  	_ =	sfence.sel $0xFFFF  }
0xbf: {  	[dreg:$0x0] =	wrdreg $0xFFFFFFFF;
	(pc) =	sbr.abs _section_cstart, $3  }
0xc0: {  	[dreg:$0x1] =	wrdreg $0xFFFFFFFF  }
0xc1: {  	_ =	task.clear_ibuf [dreg:s7], $0x2FFFF;
	_ =	strace $0x9FFFFFFF  }
0xc2: {  	(tm) =	ssettm $0x7FFFFFFF  }
0xc3: {  	_ =	shalt  }
tec
execute0_lowered:
.L_overlay_start_1:
0x0: {  	(tag) =	ssettag $0x1  }
0x1: {  	s1 =	srdreg.scid  }
0x2: {  	s0 =	stileid.u32;
	s16 =	sand.u32 $0x1, s1  }
0x3: {  	s2 =	rddreg [dreg:$0x0];
	s30 =	sshll.u32 s0, $0xA;
	s3 =	sshll.u32 s16, $0x9  }
0x4: {  	s14 =	rddreg [dreg:$0x1];
	s15 =	sor.u32 s3, s30  }
0x5: {  	s1 =	rddreg [dreg:$0x2];
	s3 =	simm.s32 $0x0;
	s4 =	sshrl.u32 s15, $0x3  }
0x6: {  	[smem:$0x7FF] =	sst s3;
	s17 =	sadd.s32 s4, s14  }
0x7: {  	_ =	strace $0x8000004D;
	s4 =	simm.s32 $0x2;
	s5 =	sadd.s32 $0x800, s17  }
0x8: {  	[tilespmem:s3], [sflag:$0x2] =	stream.linear.gather [hbm4b:s5+s3], $0x200, $0x38;
	[tilespmem:$0x10200] =	vst v63  }
0x9: {  	_ =	swait.ge [sflag:s4], $0x200  }
0xa: {  	[sflag:s4] =	ssyncset.done $0x0  }
0xb: {  	s6 =	simm.s32 $0x80;
	s7 =	simm.s32 $0x200;
	[sflag:s4] =	ssyncadd.s32 $0xFFFFFE00  }
0xc: {  	[tilespmem:s7], [sflag:$0x1] =	stream.indirect.gather [hbm4b:s2+s6], $0x80, s3, s6, $0xb8;
	[tilespmem:$0x10200] =	vst v63  }
0xd: {  	s8 =	simm.s32 $0x4200  }
0xe: {  	[tilespmem:s8], [sflag:$0x1] =	stream.indirect.gather [hbm4b:s2+s6], $0x80, s6, s6, $0xb8;
	[tilespmem:$0x10200] =	vst v63  }
0xf: {  	s9 =	simm.s32 $0x100;
	s10 =	simm.s32 $0x8200  }
0x10: {  	[tilespmem:s10], [sflag:$0x1] =	stream.indirect.gather [hbm4b:s2+s6], $0x80, s9, s6, $0xb8;
	[tilespmem:$0x10200] =	vst v63  }
0x11: {  	s11 =	simm.s32 $0x180;
	s12 =	simm.s32 $0xC200;
	s13 =	simm.s32 $0x1  }
0x12: {  	[tilespmem:s12], [sflag:$0x1] =	stream.indirect.gather [hbm4b:s2+s6], $0x80, s11, s6, $0xb8;
	[tilespmem:$0x10200] =	vst v63  }
0x13: {  	_ =	swait.ge [sflag:s13], $0x4000  }
0x14: {  	[sflag:s13] =	ssyncset.done $0x0  }
0x15: {  	[sflag:s13] =	ssyncadd.s32 $0xFFFFC000  }
0x16: {  	_ =	swait.ge [sflag:s13], $0x4000  }
0x17: {  	[sflag:s13] =	ssyncset.done $0x0  }
0x18: {  	[sflag:s13] =	ssyncadd.s32 $0xFFFFC000  }
0x19: {  	_ =	swait.ge [sflag:s13], $0x4000  }
0x1a: {  	[sflag:s13] =	ssyncset.done $0x0  }
0x1b: {  	[sflag:s13] =	ssyncadd.s32 $0xFFFFC000  }
0x1c: {  	s15 =	sshll.u32 s15, $0x4;
	_ =	swait.ge [sflag:s13], $0x4000  }
0x1d: {  	s18 =	sadd.s32 s15, s14;
	[sflag:s13] =	ssyncset.done $0x0  }
0x1e: {  	s14 =	sadd.s32 $0x3000, s18;
	[sflag:s13] =	ssyncadd.s32 $0xFFFFC000  }
0x1f: {  	[hbm4b:s14+s3] =	stream.linear.scatter [tilespmem:s7], [sflag:$0x2], $0x10000, $0x38;
	[tilespmem:$0x10200] =	vst v63  }
0x20: {  	_ =	swait.ge [sflag:s4], $0x10000  }
0x21: {  	[sflag:s4] =	ssyncset.done $0x0  }
0x22: {  	s15 =	sadd.s32 $0x2800, s17;
	[sflag:s4] =	ssyncadd.s32 $0xFFFF0000  }
0x23: {  	[tilespmem:s3], [sflag:$0x2] =	stream.linear.gather [hbm4b:s15+s3], $0x200, $0x38;
	[tilespmem:$0x10200] =	vst v63  }
0x24: {  	_ =	swait.ge [sflag:s4], $0x200  }
0x25: {  	[sflag:s4] =	ssyncset.done $0x0  }
0x26: {  	[sflag:s4] =	ssyncadd.s32 $0xFFFFFE00  }
0x27: {  	[tilespmem:s7], [sflag:$0x1] =	stream.indirect.gather [hbm4b:s2+s6], $0x80, s3, s6, $0xb8;
	[tilespmem:$0x10200] =	vst v63  }
0x28: {  	_ = 	snop  }
0x29: {  	[tilespmem:s8], [sflag:$0x1] =	stream.indirect.gather [hbm4b:s2+s6], $0x80, s6, s6, $0xb8;
	[tilespmem:$0x10200] =	vst v63  }
0x2a: {  	_ = 	snop  }
0x2b: {  	[tilespmem:s10], [sflag:$0x1] =	stream.indirect.gather [hbm4b:s2+s6], $0x80, s9, s6, $0xb8;
	[tilespmem:$0x10200] =	vst v63  }
0x2c: {  	_ = 	snop  }
0x2d: {  	[tilespmem:s12], [sflag:$0x1] =	stream.indirect.gather [hbm4b:s2+s6], $0x80, s11, s6, $0xb8;
	[tilespmem:$0x10200] =	vst v63  }
0x2e: {  	_ =	swait.ge [sflag:s13], $0x4000  }
0x2f: {  	[sflag:s13] =	ssyncset.done $0x0  }
0x30: {  	[sflag:s13] =	ssyncadd.s32 $0xFFFFC000  }
0x31: {  	_ =	swait.ge [sflag:s13], $0x4000  }
0x32: {  	[sflag:s13] =	ssyncset.done $0x0  }
0x33: {  	s16 =	ssub.s32 $0x2, s16;
	[sflag:s13] =	ssyncadd.s32 $0xFFFFC000  }
0x34: {  	s31 =	sshrl.u32 s16, $0x1;
	_ =	swait.ge [sflag:s13], $0x4000  }
0x35: {  	s17 =	ssub.s32 s16, s31;
	[sflag:s13] =	ssyncset.done $0x0  }
0x36: {  	s17 =	smax.u32 s17, $0x1;
	[sflag:s13] =	ssyncadd.s32 $0xFFFFC000  }
0x37: {  	p0 =	sne.s32 s17, $0x1;
	_ =	swait.ge [sflag:s13], $0x4000  }
.Ltmp0:
0x38: {  	[sflag:s13] =	ssyncset.done $0x0;
	(pc) =	sbr.rel @!p0 .LBB2_2-.Ltmp0, $4  }
0x39: {  	s16 =	sadd.s32 $0x43800, s18;
	[sflag:s13] =	ssyncadd.s32 $0xFFFFC000  }
0x3a: {  	[hbm4b:s16+s3] =	stream.linear.scatter [tilespmem:s7], [sflag:$0x2], $0x10000, $0x38;
	[tilespmem:$0x10200] =	vst v63  }
0x3b: {  	_ =	swait.ge [sflag:s4], $0x10000  }
0x3c: {  	s17 =	sadd.s32 $0xFFFFFFFF, s17;
	[sflag:s4] =	ssyncset.done $0x0  }
.LBB2_1:
0x3d: {  	p0 =	sne.s32 s17, $0x1;
	s17 =	sadd.s32 $0xFFFFFFFF, s17;
	[sflag:s4] =	ssyncadd.s32 $0xFFFF0000  }
0x3e: {  	[tilespmem:s3], [sflag:$0x2] =	stream.linear.gather [hbm4b:s5+s3], $0x200, $0x38;
	[tilespmem:$0x10200] =	vst v63  }
0x3f: {  	_ =	swait.ge [sflag:s4], $0x200  }
0x40: {  	[sflag:s4] =	ssyncset.done $0x0  }
0x41: {  	[sflag:s4] =	ssyncadd.s32 $0xFFFFFE00  }
0x42: {  	[tilespmem:s7], [sflag:$0x1] =	stream.indirect.gather [hbm4b:s2+s6], $0x80, s3, s6, $0xb8;
	[tilespmem:$0x10200] =	vst v63  }
0x43: {  	_ = 	snop  }
0x44: {  	[tilespmem:s8], [sflag:$0x1] =	stream.indirect.gather [hbm4b:s2+s6], $0x80, s6, s6, $0xb8;
	[tilespmem:$0x10200] =	vst v63  }
0x45: {  	_ = 	snop  }
0x46: {  	[tilespmem:s10], [sflag:$0x1] =	stream.indirect.gather [hbm4b:s2+s6], $0x80, s9, s6, $0xb8;
	[tilespmem:$0x10200] =	vst v63  }
0x47: {  	_ = 	snop  }
0x48: {  	[tilespmem:s12], [sflag:$0x1] =	stream.indirect.gather [hbm4b:s2+s6], $0x80, s11, s6, $0xb8;
	[tilespmem:$0x10200] =	vst v63  }
0x49: {  	_ =	swait.ge [sflag:s13], $0x4000  }
0x4a: {  	[sflag:s13] =	ssyncset.done $0x0  }
0x4b: {  	[sflag:s13] =	ssyncadd.s32 $0xFFFFC000  }
0x4c: {  	_ =	swait.ge [sflag:s13], $0x4000  }
0x4d: {  	[sflag:s13] =	ssyncset.done $0x0  }
0x4e: {  	[sflag:s13] =	ssyncadd.s32 $0xFFFFC000  }
0x4f: {  	_ =	swait.ge [sflag:s13], $0x4000  }
0x50: {  	[sflag:s13] =	ssyncset.done $0x0  }
0x51: {  	[sflag:s13] =	ssyncadd.s32 $0xFFFFC000  }
0x52: {  	_ =	swait.ge [sflag:s13], $0x4000  }
0x53: {  	[sflag:s13] =	ssyncset.done $0x0  }
0x54: {  	[sflag:s13] =	ssyncadd.s32 $0xFFFFC000  }
0x55: {  	[hbm4b:s14+s3] =	stream.linear.scatter [tilespmem:s7], [sflag:$0x2], $0x10000, $0x38;
	[tilespmem:$0x10200] =	vst v63  }
0x56: {  	_ =	swait.ge [sflag:s4], $0x10000  }
0x57: {  	[sflag:s4] =	ssyncset.done $0x0  }
0x58: {  	[sflag:s4] =	ssyncadd.s32 $0xFFFF0000  }
0x59: {  	[tilespmem:s3], [sflag:$0x2] =	stream.linear.gather [hbm4b:s15+s3], $0x200, $0x38;
	[tilespmem:$0x10200] =	vst v63  }
0x5a: {  	_ =	swait.ge [sflag:s4], $0x200  }
0x5b: {  	[sflag:s4] =	ssyncset.done $0x0  }
0x5c: {  	[sflag:s4] =	ssyncadd.s32 $0xFFFFFE00  }
0x5d: {  	[tilespmem:s7], [sflag:$0x1] =	stream.indirect.gather [hbm4b:s2+s6], $0x80, s3, s6, $0xb8;
	[tilespmem:$0x10200] =	vst v63  }
0x5e: {  	_ = 	snop  }
0x5f: {  	[tilespmem:s8], [sflag:$0x1] =	stream.indirect.gather [hbm4b:s2+s6], $0x80, s6, s6, $0xb8;
	[tilespmem:$0x10200] =	vst v63  }
0x60: {  	_ = 	snop  }
0x61: {  	[tilespmem:s10], [sflag:$0x1] =	stream.indirect.gather [hbm4b:s2+s6], $0x80, s9, s6, $0xb8;
	[tilespmem:$0x10200] =	vst v63  }
0x62: {  	_ = 	snop  }
0x63: {  	[tilespmem:s12], [sflag:$0x1] =	stream.indirect.gather [hbm4b:s2+s6], $0x80, s11, s6, $0xb8;
	[tilespmem:$0x10200] =	vst v63  }
0x64: {  	_ =	swait.ge [sflag:s13], $0x4000  }
0x65: {  	[sflag:s13] =	ssyncset.done $0x0  }
0x66: {  	[sflag:s13] =	ssyncadd.s32 $0xFFFFC000  }
0x67: {  	_ =	swait.ge [sflag:s13], $0x4000  }
0x68: {  	[sflag:s13] =	ssyncset.done $0x0  }
0x69: {  	[sflag:s13] =	ssyncadd.s32 $0xFFFFC000  }
0x6a: {  	_ =	swait.ge [sflag:s13], $0x4000  }
0x6b: {  	[sflag:s13] =	ssyncset.done $0x0  }
0x6c: {  	[sflag:s13] =	ssyncadd.s32 $0xFFFFC000  }
0x6d: {  	_ =	swait.ge [sflag:s13], $0x4000  }
.Ltmp1:
0x6e: {  	[sflag:s13] =	ssyncset.done $0x0;
	(pc) =	sbr.rel @p0 .LBB2_1-.Ltmp1, $4  }
0x6f: {  	[sflag:s13] =	ssyncadd.s32 $0xFFFFC000  }
0x70: {  	[hbm4b:s16+s3] =	stream.linear.scatter [tilespmem:s7], [sflag:$0x2], $0x10000, $0x38;
	[tilespmem:$0x10200] =	vst v63  }
0x71: {  	_ =	swait.ge [sflag:s4], $0x10000  }
0x72: {  	[sflag:s4] =	ssyncset.done $0x0  }
.LBB2_2:
0x73: {  	[sflag:s4] =	ssyncadd.s32 $0xFFFF0000  }
0x74: {  	_ =	sfence.sel $0x180000  }
0x75: {  	[bflag:$0x0] =	sbarrier.arrive $0xFFFF  }
0x76: {  	p0 =	sne.s32 s0, $0x0;
	_ =	strace $0x9000004D  }
0x77: {  	s0 =	sadd.s32 @!p0 $0x100000, s1;
	[bflag:$0x2] =	sbarrier.arrive $0xFFFF  }
0x78: {  	[sflag:s0] =	ssyncadd.tile.s32 @!p0 $0x1;
	_ =	shalt  }
.Lfunc_end2:
_tile_overlayer_lowered:
.L_overlay_start_2:
0x79: {  	(tag) =	ssettag $0x2  }
0x7a: {  	s0 =	rddreg [dreg:$0x0];
	s2 =	stileid.u32  }
0x7b: {  	s1 =	rddreg [dreg:$0x1];
	p0 =	sne.s32 s2, $0x0  }
0x7c: {  	s3 =	rddreg [dreg:$0x2];
	[bflag:$0x3] =	sbarrier.arrive $0xFFFF;
	s2 =	simm.s32 @!p0 $0x1C02  }
0x7d: {  	[timem:s3], [sflag:s2] =	dma.local @!p0 [hbm:s0], s1  }
0x7e: {  	s0 =	simm.s32 @!p0 $0x2  }
0x7f: {  	_ =	swait.ge @!p0 [sflag:s0], s1  }
0x80: {  	s1 =	ssub.s32 @!p0 $0x0, s1;
	[sflag:s0] =	ssyncset.done @!p0 $0x0  }
0x81: {  	[sflag:s0] =	ssyncadd.s32 @!p0 s1  }
0x82: {  	[bflag:$0x3] =	sbarrier.arrive $0xFFFF  }
0x83: {  	_ =	shalt  }

</sc_bundles>
